<compile_context>
chip_gen: v7x
topology: tpu7x:2x2x1
jax: 0.10.2.dev20260603
libtpu: 0.0.44.dev20260713+nightly
codegen_flags: <defaults>
</compile_context>

<pallas_src>
import functools

import jax
import jax.numpy as jnp
from jax import lax
from jax.experimental import pallas as pl
from jax.experimental.pallas import tpu as pltpu
from jax.experimental.pallas import tpu_sc as plsc

NUM_EMB = 1000000
DIM = 32
B = 16384

_NC = 2
_NS = 16
_NW = _NC * _NS
_BPW = B // _NW
_HALF = _BPW // 2

_mesh = plsc.VectorSubcoreMesh(core_axis_name="c", subcore_axis_name="s")


@functools.partial(
    pl.kernel,
    mesh=_mesh,
    out_type=jax.ShapeDtypeStruct((2, B, DIM), jnp.float32),
    scratch_types=[
        pltpu.VMEM((_BPW,), jnp.int32),
        pltpu.VMEM((_HALF, DIM), jnp.float32),
        pltpu.VMEM((_HALF, DIM), jnp.float32),
        pltpu.SemaphoreType.DMA,
    ],
)
def _emb_lookup(idx_hbm, wr_hbm, wi_hbm, out_hbm, idx_v, rows_r, rows_i, sem):
    wid = lax.axis_index("s") * _NC + lax.axis_index("c")
    base = wid * _BPW
    pltpu.sync_copy(idx_hbm.at[wid], idx_v)

    for half in range(2):
        off = half * _HALF

        def grp_body(g, _):
            grp = idx_v[pl.ds(off + g * 16, 16)]
            for lane in range(16):
                row = grp[lane]
                i = g * 16 + lane
                pltpu.async_copy(
                    wr_hbm.at[pl.ds(row, 1), :], rows_r.at[pl.ds(i, 1), :], sem)
                pltpu.async_copy(
                    wi_hbm.at[pl.ds(row, 1), :], rows_i.at[pl.ds(i, 1), :], sem)
            return ()

        lax.fori_loop(0, _HALF // 16, grp_body, ())
        pltpu.make_async_copy(
            wr_hbm.at[pl.ds(0, _HALF), :], rows_r, sem).wait()
        pltpu.make_async_copy(
            wi_hbm.at[pl.ds(0, _HALF), :], rows_i, sem).wait()
        pltpu.sync_copy(rows_r, out_hbm.at[0, pl.ds(base + off, _HALF)])
        pltpu.sync_copy(rows_i, out_hbm.at[1, pl.ds(base + off, _HALF)])


@jax.jit
def kernel(index, W_real, W_img):
    idx = index.astype(jnp.int32).reshape(_NW, _BPW)
    return _emb_lookup(idx, W_real, W_img)

# --- scband reference (transcript-rebuilt; emitter-appended) ---
"""Pipeline reference for scband-relation-embedding-5179730559596 (READ-ONLY COPY).

The authoritative reference and input builder live on the scoring server;
editing this copy changes nothing except your own understanding.
"""

import jax, jax.numpy as jnp
import numpy as np

NUM_EMB = 1000000  # num_relations (incl. inverse relations)
DIM = 32           # embedding_dim per relation key
B = 16384          # batch of relation indices


def _xavier_uniform(key, shape, dtype=jnp.float32):
    # nn.init.xavier_uniform_ on weight of shape (num_emb, dim):
    # fan_in = dim, fan_out = num_emb -> bound = sqrt(6 / (fan_in + fan_out))
    fan_out, fan_in = shape
    bound = float(np.sqrt(6.0 / (fan_in + fan_out)))
    return jax.random.uniform(key, shape, dtype=dtype, minval=-bound, maxval=bound)


def setup_inputs(seed: int = 0) -> dict:
    key = jax.random.key(seed)
    k1, k2, k3 = jax.random.split(key, 3)
    index = jax.random.randint(k1, (B,), 0, NUM_EMB)
    W_real = _xavier_uniform(k2, (NUM_EMB, DIM))
    W_img = _xavier_uniform(k3, (NUM_EMB, DIM))
    return {"index": index, "W_real": W_real, "W_img": W_img}


def reference(index, W_real, W_img):
    # RelationEmbedding.__call__(index, inverse_relation=False):
    #   returns {k: embedding_k(index) for k in keys}
    # We materialize the per-key embedding lookups; outputs stacked along
    # a leading 'key' axis (keys = ['real', 'img']) for a single array output.
    out_real = jnp.take(W_real, index, axis=0)
    out_img = jnp.take(W_img, index, axis=0)
    return jnp.stack([out_real, out_img], axis=0)

if __name__ == "__main__":
    import jax
    _d = setup_inputs()
    print(jax.jit(kernel)(*tuple(_d.values())))

</pallas_src>

<mosaic_0001>
#map = affine_map<(d0, d1) -> (0, 0)>
#map1 = affine_map<(d0, d1) -> (0, 0, 0)>
module attributes {stable_mosaic.version = 14 : i64} {
  func.func @_emb_lookup(%arg0: i32, %arg1: i32, %arg2: memref<32x512xi32, #tpu.memory_space<hbm>>, %arg3: memref<1000000x32xf32, #tpu.memory_space<hbm>>, %arg4: memref<1000000x32xf32, #tpu.memory_space<hbm>>, %arg5: memref<2x16384x32xf32, #tpu.memory_space<hbm>>, %arg6: memref<512xi32, #tpu.memory_space<vmem>>, %arg7: memref<256x32xf32, #tpu.memory_space<vmem>>, %arg8: memref<256x32xf32, #tpu.memory_space<vmem>>, %arg9: memref<!tpu.dma_semaphore, #tpu.memory_space<semaphore_mem>>) attributes {dimension_semantics = [#tpu.dimension_semantics<core_parallel>, #tpu.dimension_semantics<subcore_parallel>], iteration_bounds = array<i64: 2, 16>, scalar_prefetch = 0 : i64, scratch_operands = 4 : i64, tpu.core_type = #tpu.core_type<sc_vector_subcore>, window_params = [{transform_indices = #map}, {transform_indices = #map}, {transform_indices = #map}, {transform_indices = #map1}]} {
    %mul3A = arith.constant 2 : i32
    %mul3A_0 = arith.muli %arg1, %mul3A : i32
    %add3A = arith.addi %mul3A_0, %arg0 : i32
    %mul3A_1 = arith.constant 512 : i32
    %mul3A_2 = arith.muli %add3A, %mul3A_1 : i32
    "tpu.region"() ({
      %run_scoped3A_46 = tpu.sem_alloc : memref<!tpu.dma_semaphore, #tpu.memory_space<semaphore_mem>>
      %dma_start3A = arith.constant 0 : i32
      %dma_start3A_47 = tpu.memref_slice %arg2[%add3A, %dma_start3A] : memref<32x512xi32, #tpu.memory_space<hbm>> -> memref<1x512xi32, #tpu.memory_space<hbm>>
      %dma_start3A_48 = tpu.memref_squeeze %dma_start3A_47 : memref<1x512xi32, #tpu.memory_space<hbm>> -> memref<512xi32, #tpu.memory_space<hbm>>
      %dma_start3A_49 = arith.constant 0 : i32
      %dma_start3A_50 = tpu.memref_slice %arg2[%add3A, %dma_start3A_49] : memref<32x512xi32, #tpu.memory_space<hbm>> -> memref<1x512xi32, #tpu.memory_space<hbm>>
      %dma_start3A_51 = tpu.memref_squeeze %dma_start3A_50 : memref<1x512xi32, #tpu.memory_space<hbm>> -> memref<512xi32, #tpu.memory_space<hbm>>
      tpu.enqueue_dma source(%dma_start3A_51 : memref<512xi32, #tpu.memory_space<hbm>>) target(%arg6 : memref<512xi32, #tpu.memory_space<vmem>>) target_semaphore(%run_scoped3A_46 : memref<!tpu.dma_semaphore, #tpu.memory_space<semaphore_mem>>)
      %dma_wait3A_52 = arith.constant 0 : i32
      %dma_wait3A_53 = tpu.memref_slice %arg2[%add3A, %dma_wait3A_52] : memref<32x512xi32, #tpu.memory_space<hbm>> -> memref<1x512xi32, #tpu.memory_space<hbm>>
      %dma_wait3A_54 = tpu.memref_squeeze %dma_wait3A_53 : memref<1x512xi32, #tpu.memory_space<hbm>> -> memref<512xi32, #tpu.memory_space<hbm>>
      %dma_wait3A_55 = arith.constant 0 : i32
      %dma_wait3A_56 = tpu.memref_slice %arg2[%add3A, %dma_wait3A_55] : memref<32x512xi32, #tpu.memory_space<hbm>> -> memref<1x512xi32, #tpu.memory_space<hbm>>
      %dma_wait3A_57 = tpu.memref_squeeze %dma_wait3A_56 : memref<1x512xi32, #tpu.memory_space<hbm>> -> memref<512xi32, #tpu.memory_space<hbm>>
      tpu.wait_dma2 semaphore(%run_scoped3A_46 : memref<!tpu.dma_semaphore, #tpu.memory_space<semaphore_mem>>) src(%dma_wait3A_57 : memref<512xi32, #tpu.memory_space<hbm>>) dst(%arg6 : memref<512xi32, #tpu.memory_space<vmem>>)
      tpu.yield
    }) : () -> ()
    %scan3A = arith.constant 0 : i32
    %scan3A_3 = arith.constant 16 : i32
    %scan3A_4 = arith.addi %scan3A, %scan3A_3 : i32
    %scan3A_5 = arith.constant 1 : i32
    scf.for %scan3A_46 = %scan3A to %scan3A_4 step %scan3A_5  : i32 {
      %mul3A_47 = arith.constant 16 : i32
      %mul3A_48 = arith.muli %scan3A_46, %mul3A_47 : i32
      %add3A_49 = arith.constant 0 : i32
      %add3A_50 = arith.addi %add3A_49, %mul3A_48 : i32
      %get3A = arith.index_cast %add3A_50 : i32 to index
      %get3A_51 = tpu.vector_load %arg6[%get3A] {strides = array<i32>} : memref<512xi32, #tpu.memory_space<vmem>>, vector<16xi32>,
      %get3A_52 = vector.shape_cast %get3A_51 : vector<16xi32> to vector<16xi32>
      %slice3A = vector.extract_strided_slice %get3A_52 {offsets = [0], sizes = [1], strides = [1]} : vector<16xi32> to vector<1xi32>
      %squeeze3A = vector.extract %slice3A[0] : i32 from vector<1xi32>
      %mul3A_53 = arith.constant 16 : i32
      %mul3A_54 = arith.muli %scan3A_46, %mul3A_53 : i32
      %add3A_55 = arith.constant 0 : i32
      %add3A_56 = arith.addi %mul3A_54, %add3A_55 : i32
      %dma_start3A = arith.constant 0 : i32
      %dma_start3A_57 = tpu.memref_slice %arg7[%add3A_56, %dma_start3A] : memref<256x32xf32, #tpu.memory_space<vmem>> -> memref<1x32xf32, #tpu.memory_space<vmem>>
      %dma_start3A_58 = arith.constant 0 : i32
      %dma_start3A_59 = tpu.memref_slice %arg3[%squeeze3A, %dma_start3A_58] : memref<1000000x32xf32, #tpu.memory_space<hbm>> -> memref<1x32xf32, #tpu.memory_space<hbm>>
      %dma_start3A_60 = arith.constant 0 : i32
      %dma_start3A_61 = tpu.memref_slice %arg7[%add3A_56, %dma_start3A_60] : memref<256x32xf32, #tpu.memory_space<vmem>> -> memref<1x32xf32, #tpu.memory_space<vmem>>
      %dma_start3A_62 = arith.constant 0 : i32
      %dma_start3A_63 = tpu.memref_slice %arg3[%squeeze3A, %dma_start3A_62] : memref<1000000x32xf32, #tpu.memory_space<hbm>> -> memref<1x32xf32, #tpu.memory_space<hbm>>
      tpu.enqueue_dma source(%dma_start3A_63 : memref<1x32xf32, #tpu.memory_space<hbm>>) target(%dma_start3A_61 : memref<1x32xf32, #tpu.memory_space<vmem>>) target_semaphore(%arg9 : memref<!tpu.dma_semaphore, #tpu.memory_space<semaphore_mem>>)
      %dma_start3A_64 = arith.constant 0 : i32
      %dma_start3A_65 = tpu.memref_slice %arg8[%add3A_56, %dma_start3A_64] : memref<256x32xf32, #tpu.memory_space<vmem>> -> memref<1x32xf32, #tpu.memory_space<vmem>>
      %dma_start3A_66 = arith.constant 0 : i32
      %dma_start3A_67 = tpu.memref_slice %arg4[%squeeze3A, %dma_start3A_66] : memref<1000000x32xf32, #tpu.memory_space<hbm>> -> memref<1x32xf32, #tpu.memory_space<hbm>>
      %dma_start3A_68 = arith.constant 0 : i32
      %dma_start3A_69 = tpu.memref_slice %arg8[%add3A_56, %dma_start3A_68] : memref<256x32xf32, #tpu.memory_space<vmem>> -> memref<1x32xf32, #tpu.memory_space<vmem>>
      %dma_start3A_70 = arith.constant 0 : i32
      %dma_start3A_71 = tpu.memref_slice %arg4[%squeeze3A, %dma_start3A_70] : memref<1000000x32xf32, #tpu.memory_space<hbm>> -> memref<1x32xf32, #tpu.memory_space<hbm>>
      tpu.enqueue_dma source(%dma_start3A_71 : memref<1x32xf32, #tpu.memory_space<hbm>>) target(%dma_start3A_69 : memref<1x32xf32, #tpu.memory_space<vmem>>) target_semaphore(%arg9 : memref<!tpu.dma_semaphore, #tpu.memory_space<semaphore_mem>>)
      %slice3A_72 = vector.extract_strided_slice %get3A_52 {offsets = [1], sizes = [1], strides = [1]} : vector<16xi32> to vector<1xi32>
      %squeeze3A_73 = vector.extract %slice3A_72[0] : i32 from vector<1xi32>
      %mul3A_74 = arith.constant 16 : i32
      %mul3A_75 = arith.muli %scan3A_46, %mul3A_74 : i32
      %add3A_76 = arith.constant 1 : i32
      %add3A_77 = arith.addi %mul3A_75, %add3A_76 : i32
      %dma_start3A_78 = arith.constant 0 : i32
      %dma_start3A_79 = tpu.memref_slice %arg7[%add3A_77, %dma_start3A_78] : memref<256x32xf32, #tpu.memory_space<vmem>> -> memref<1x32xf32, #tpu.memory_space<vmem>>
      %dma_start3A_80 = arith.constant 0 : i32
      %dma_start3A_81 = tpu.memref_slice %arg3[%squeeze3A_73, %dma_start3A_80] : memref<1000000x32xf32, #tpu.memory_space<hbm>> -> memref<1x32xf32, #tpu.memory_space<hbm>>
      %dma_start3A_82 = arith.constant 0 : i32
      %dma_start3A_83 = tpu.memref_slice %arg7[%add3A_77, %dma_start3A_82] : memref<256x32xf32, #tpu.memory_space<vmem>> -> memref<1x32xf32, #tpu.memory_space<vmem>>
      %dma_start3A_84 = arith.constant 0 : i32
      %dma_start3A_85 = tpu.memref_slice %arg3[%squeeze3A_73, %dma_start3A_84] : memref<1000000x32xf32, #tpu.memory_space<hbm>> -> memref<1x32xf32, #tpu.memory_space<hbm>>
      tpu.enqueue_dma source(%dma_start3A_85 : memref<1x32xf32, #tpu.memory_space<hbm>>) target(%dma_start3A_83 : memref<1x32xf32, #tpu.memory_space<vmem>>) target_semaphore(%arg9 : memref<!tpu.dma_semaphore, #tpu.memory_space<semaphore_mem>>)
      %dma_start3A_86 = arith.constant 0 : i32
      %dma_start3A_87 = tpu.memref_slice %arg8[%add3A_77, %dma_start3A_86] : memref<256x32xf32, #tpu.memory_space<vmem>> -> memref<1x32xf32, #tpu.memory_space<vmem>>
      %dma_start3A_88 = arith.constant 0 : i32
      %dma_start3A_89 = tpu.memref_slice %arg4[%squeeze3A_73, %dma_start3A_88] : memref<1000000x32xf32, #tpu.memory_space<hbm>> -> memref<1x32xf32, #tpu.memory_space<hbm>>
      %dma_start3A_90 = arith.constant 0 : i32
      %dma_start3A_91 = tpu.memref_slice %arg8[%add3A_77, %dma_start3A_90] : memref<256x32xf32, #tpu.memory_space<vmem>> -> memref<1x32xf32, #tpu.memory_space<vmem>>
      %dma_start3A_92 = arith.constant 0 : i32
      %dma_start3A_93 = tpu.memref_slice %arg4[%squeeze3A_73, %dma_start3A_92] : memref<1000000x32xf32, #tpu.memory_space<hbm>> -> memref<1x32xf32, #tpu.memory_space<hbm>>
      tpu.enqueue_dma source(%dma_start3A_93 : memref<1x32xf32, #tpu.memory_space<hbm>>) target(%dma_start3A_91 : memref<1x32xf32, #tpu.memory_space<vmem>>) target_semaphore(%arg9 : memref<!tpu.dma_semaphore, #tpu.memory_space<semaphore_mem>>)
      %slice3A_94 = vector.extract_strided_slice %get3A_52 {offsets = [2], sizes = [1], strides = [1]} : vector<16xi32> to vector<1xi32>
      %squeeze3A_95 = vector.extract %slice3A_94[0] : i32 from vector<1xi32>
      %mul3A_96 = arith.constant 16 : i32
      %mul3A_97 = arith.muli %scan3A_46, %mul3A_96 : i32
      %add3A_98 = arith.constant 2 : i32
      %add3A_99 = arith.addi %mul3A_97, %add3A_98 : i32
      %dma_start3A_100 = arith.constant 0 : i32
      %dma_start3A_101 = tpu.memref_slice %arg7[%add3A_99, %dma_start3A_100] : memref<256x32xf32, #tpu.memory_space<vmem>> -> memref<1x32xf32, #tpu.memory_space<vmem>>
      %dma_start3A_102 = arith.constant 0 : i32
      %dma_start3A_103 = tpu.memref_slice %arg3[%squeeze3A_95, %dma_start3A_102] : memref<1000000x32xf32, #tpu.memory_space<hbm>> -> memref<1x32xf32, #tpu.memory_space<hbm>>
      %dma_start3A_104 = arith.constant 0 : i32
      %dma_start3A_105 = tpu.memref_slice %arg7[%add3A_99, %dma_start3A_104] : memref<256x32xf32, #tpu.memory_space<vmem>> -> memref<1x32xf32, #tpu.memory_space<vmem>>
      %dma_start3A_106 = arith.constant 0 : i32
      %dma_start3A_107 = tpu.memref_slice %arg3[%squeeze3A_95, %dma_start3A_106] : memref<1000000x32xf32, #tpu.memory_space<hbm>> -> memref<1x32xf32, #tpu.memory_space<hbm>>
      tpu.enqueue_dma source(%dma_start3A_107 : memref<1x32xf32, #tpu.memory_space<hbm>>) target(%dma_start3A_105 : memref<1x32xf32, #tpu.memory_space<vmem>>) target_semaphore(%arg9 : memref<!tpu.dma_semaphore, #tpu.memory_space<semaphore_mem>>)
      %dma_start3A_108 = arith.constant 0 : i32
      %dma_start3A_109 = tpu.memref_slice %arg8[%add3A_99, %dma_start3A_108] : memref<256x32xf32, #tpu.memory_space<vmem>> -> memref<1x32xf32, #tpu.memory_space<vmem>>
      %dma_start3A_110 = arith.constant 0 : i32
      %dma_start3A_111 = tpu.memref_slice %arg4[%squeeze3A_95, %dma_start3A_110] : memref<1000000x32xf32, #tpu.memory_space<hbm>> -> memref<1x32xf32, #tpu.memory_space<hbm>>
      %dma_start3A_112 = arith.constant 0 : i32
      %dma_start3A_113 = tpu.memref_slice %arg8[%add3A_99, %dma_start3A_112] : memref<256x32xf32, #tpu.memory_space<vmem>> -> memref<1x32xf32, #tpu.memory_space<vmem>>
      %dma_start3A_114 = arith.constant 0 : i32
      %dma_start3A_115 = tpu.memref_slice %arg4[%squeeze3A_95, %dma_start3A_114] : memref<1000000x32xf32, #tpu.memory_space<hbm>> -> memref<1x32xf32, #tpu.memory_space<hbm>>
      tpu.enqueue_dma source(%dma_start3A_115 : memref<1x32xf32, #tpu.memory_space<hbm>>) target(%dma_start3A_113 : memref<1x32xf32, #tpu.memory_space<vmem>>) target_semaphore(%arg9 : memref<!tpu.dma_semaphore, #tpu.memory_space<semaphore_mem>>)
      %slice3A_116 = vector.extract_strided_slice %get3A_52 {offsets = [3], sizes = [1], strides = [1]} : vector<16xi32> to vector<1xi32>
      %squeeze3A_117 = vector.extract %slice3A_116[0] : i32 from vector<1xi32>
      %mul3A_118 = arith.constant 16 : i32
      %mul3A_119 = arith.muli %scan3A_46, %mul3A_118 : i32
      %add3A_120 = arith.constant 3 : i32
      %add3A_121 = arith.addi %mul3A_119, %add3A_120 : i32
      %dma_start3A_122 = arith.constant 0 : i32
      %dma_start3A_123 = tpu.memref_slice %arg7[%add3A_121, %dma_start3A_122] : memref<256x32xf32, #tpu.memory_space<vmem>> -> memref<1x32xf32, #tpu.memory_space<vmem>>
      %dma_start3A_124 = arith.constant 0 : i32
      %dma_start3A_125 = tpu.memref_slice %arg3[%squeeze3A_117, %dma_start3A_124] : memref<1000000x32xf32, #tpu.memory_space<hbm>> -> memref<1x32xf32, #tpu.memory_space<hbm>>
      %dma_start3A_126 = arith.constant 0 : i32
      %dma_start3A_127 = tpu.memref_slice %arg7[%add3A_121, %dma_start3A_126] : memref<256x32xf32, #tpu.memory_space<vmem>> -> memref<1x32xf32, #tpu.memory_space<vmem>>
      %dma_start3A_128 = arith.constant 0 : i32
      %dma_start3A_129 = tpu.memref_slice %arg3[%squeeze3A_117, %dma_start3A_128] : memref<1000000x32xf32, #tpu.memory_space<hbm>> -> memref<1x32xf32, #tpu.memory_space<hbm>>
      tpu.enqueue_dma source(%dma_start3A_129 : memref<1x32xf32, #tpu.memory_space<hbm>>) target(%dma_start3A_127 : memref<1x32xf32, #tpu.memory_space<vmem>>) target_semaphore(%arg9 : memref<!tpu.dma_semaphore, #tpu.memory_space<semaphore_mem>>)
      %dma_start3A_130 = arith.constant 0 : i32
      %dma_start3A_131 = tpu.memref_slice %arg8[%add3A_121, %dma_start3A_130] : memref<256x32xf32, #tpu.memory_space<vmem>> -> memref<1x32xf32, #tpu.memory_space<vmem>>
      %dma_start3A_132 = arith.constant 0 : i32
      %dma_start3A_133 = tpu.memref_slice %arg4[%squeeze3A_117, %dma_start3A_132] : memref<1000000x32xf32, #tpu.memory_space<hbm>> -> memref<1x32xf32, #tpu.memory_space<hbm>>
      %dma_start3A_134 = arith.constant 0 : i32
      %dma_start3A_135 = tpu.memref_slice %arg8[%add3A_121, %dma_start3A_134] : memref<256x32xf32, #tpu.memory_space<vmem>> -> memref<1x32xf32, #tpu.memory_space<vmem>>
      %dma_start3A_136 = arith.constant 0 : i32
      %dma_start3A_137 = tpu.memref_slice %arg4[%squeeze3A_117, %dma_start3A_136] : memref<1000000x32xf32, #tpu.memory_space<hbm>> -> memref<1x32xf32, #tpu.memory_space<hbm>>
      tpu.enqueue_dma source(%dma_start3A_137 : memref<1x32xf32, #tpu.memory_space<hbm>>) target(%dma_start3A_135 : memref<1x32xf32, #tpu.memory_space<vmem>>) target_semaphore(%arg9 : memref<!tpu.dma_semaphore, #tpu.memory_space<semaphore_mem>>)
      %slice3A_138 = vector.extract_strided_slice %get3A_52 {offsets = [4], sizes = [1], strides = [1]} : vector<16xi32> to vector<1xi32>
      %squeeze3A_139 = vector.extract %slice3A_138[0] : i32 from vector<1xi32>
      %mul3A_140 = arith.constant 16 : i32
      %mul3A_141 = arith.muli %scan3A_46, %mul3A_140 : i32
      %add3A_142 = arith.constant 4 : i32
      %add3A_143 = arith.addi %mul3A_141, %add3A_142 : i32
      %dma_start3A_144 = arith.constant 0 : i32
      %dma_start3A_145 = tpu.memref_slice %arg7[%add3A_143, %dma_start3A_144] : memref<256x32xf32, #tpu.memory_space<vmem>> -> memref<1x32xf32, #tpu.memory_space<vmem>>
      %dma_start3A_146 = arith.constant 0 : i32
      %dma_start3A_147 = tpu.memref_slice %arg3[%squeeze3A_139, %dma_start3A_146] : memref<1000000x32xf32, #tpu.memory_space<hbm>> -> memref<1x32xf32, #tpu.memory_space<hbm>>
      %dma_start3A_148 = arith.constant 0 : i32
      %dma_start3A_149 = tpu.memref_slice %arg7[%add3A_143, %dma_start3A_148] : memref<256x32xf32, #tpu.memory_space<vmem>> -> memref<1x32xf32, #tpu.memory_space<vmem>>
      %dma_start3A_150 = arith.constant 0 : i32
      %dma_start3A_151 = tpu.memref_slice %arg3[%squeeze3A_139, %dma_start3A_150] : memref<1000000x32xf32, #tpu.memory_space<hbm>> -> memref<1x32xf32, #tpu.memory_space<hbm>>
      tpu.enqueue_dma source(%dma_start3A_151 : memref<1x32xf32, #tpu.memory_space<hbm>>) target(%dma_start3A_149 : memref<1x32xf32, #tpu.memory_space<vmem>>) target_semaphore(%arg9 : memref<!tpu.dma_semaphore, #tpu.memory_space<semaphore_mem>>)
      %dma_start3A_152 = arith.constant 0 : i32
      %dma_start3A_153 = tpu.memref_slice %arg8[%add3A_143, %dma_start3A_152] : memref<256x32xf32, #tpu.memory_space<vmem>> -> memref<1x32xf32, #tpu.memory_space<vmem>>
      %dma_start3A_154 = arith.constant 0 : i32
      %dma_start3A_155 = tpu.memref_slice %arg4[%squeeze3A_139, %dma_start3A_154] : memref<1000000x32xf32, #tpu.memory_space<hbm>> -> memref<1x32xf32, #tpu.memory_space<hbm>>
      %dma_start3A_156 = arith.constant 0 : i32
      %dma_start3A_157 = tpu.memref_slice %arg8[%add3A_143, %dma_start3A_156] : memref<256x32xf32, #tpu.memory_space<vmem>> -> memref<1x32xf32, #tpu.memory_space<vmem>>
      %dma_start3A_158 = arith.constant 0 : i32
      %dma_start3A_159 = tpu.memref_slice %arg4[%squeeze3A_139, %dma_start3A_158] : memref<1000000x32xf32, #tpu.memory_space<hbm>> -> memref<1x32xf32, #tpu.memory_space<hbm>>
      tpu.enqueue_dma source(%dma_start3A_159 : memref<1x32xf32, #tpu.memory_space<hbm>>) target(%dma_start3A_157 : memref<1x32xf32, #tpu.memory_space<vmem>>) target_semaphore(%arg9 : memref<!tpu.dma_semaphore, #tpu.memory_space<semaphore_mem>>)
      %slice3A_160 = vector.extract_strided_slice %get3A_52 {offsets = [5], sizes = [1], strides = [1]} : vector<16xi32> to vector<1xi32>
      %squeeze3A_161 = vector.extract %slice3A_160[0] : i32 from vector<1xi32>
      %mul3A_162 = arith.constant 16 : i32
      %mul3A_163 = arith.muli %scan3A_46, %mul3A_162 : i32
      %add3A_164 = arith.constant 5 : i32
      %add3A_165 = arith.addi %mul3A_163, %add3A_164 : i32
      %dma_start3A_166 = arith.constant 0 : i32
      %dma_start3A_167 = tpu.memref_slice %arg7[%add3A_165, %dma_start3A_166] : memref<256x32xf32, #tpu.memory_space<vmem>> -> memref<1x32xf32, #tpu.memory_space<vmem>>
      %dma_start3A_168 = arith.constant 0 : i32
      %dma_start3A_169 = tpu.memref_slice %arg3[%squeeze3A_161, %dma_start3A_168] : memref<1000000x32xf32, #tpu.memory_space<hbm>> -> memref<1x32xf32, #tpu.memory_space<hbm>>
      %dma_start3A_170 = arith.constant 0 : i32
      %dma_start3A_171 = tpu.memref_slice %arg7[%add3A_165, %dma_start3A_170] : memref<256x32xf32, #tpu.memory_space<vmem>> -> memref<1x32xf32, #tpu.memory_space<vmem>>
      %dma_start3A_172 = arith.constant 0 : i32
      %dma_start3A_173 = tpu.memref_slice %arg3[%squeeze3A_161, %dma_start3A_172] : memref<1000000x32xf32, #tpu.memory_space<hbm>> -> memref<1x32xf32, #tpu.memory_space<hbm>>
      tpu.enqueue_dma source(%dma_start3A_173 : memref<1x32xf32, #tpu.memory_space<hbm>>) target(%dma_start3A_171 : memref<1x32xf32, #tpu.memory_space<vmem>>) target_semaphore(%arg9 : memref<!tpu.dma_semaphore, #tpu.memory_space<semaphore_mem>>)
      %dma_start3A_174 = arith.constant 0 : i32
      %dma_start3A_175 = tpu.memref_slice %arg8[%add3A_165, %dma_start3A_174] : memref<256x32xf32, #tpu.memory_space<vmem>> -> memref<1x32xf32, #tpu.memory_space<vmem>>
      %dma_start3A_176 = arith.constant 0 : i32
      %dma_start3A_177 = tpu.memref_slice %arg4[%squeeze3A_161, %dma_start3A_176] : memref<1000000x32xf32, #tpu.memory_space<hbm>> -> memref<1x32xf32, #tpu.memory_space<hbm>>
      %dma_start3A_178 = arith.constant 0 : i32
      %dma_start3A_179 = tpu.memref_slice %arg8[%add3A_165, %dma_start3A_178] : memref<256x32xf32, #tpu.memory_space<vmem>> -> memref<1x32xf32, #tpu.memory_space<vmem>>
      %dma_start3A_180 = arith.constant 0 : i32
      %dma_start3A_181 = tpu.memref_slice %arg4[%squeeze3A_161, %dma_start3A_180] : memref<1000000x32xf32, #tpu.memory_space<hbm>> -> memref<1x32xf32, #tpu.memory_space<hbm>>
      tpu.enqueue_dma source(%dma_start3A_181 : memref<1x32xf32, #tpu.memory_space<hbm>>) target(%dma_start3A_179 : memref<1x32xf32, #tpu.memory_space<vmem>>) target_semaphore(%arg9 : memref<!tpu.dma_semaphore, #tpu.memory_space<semaphore_mem>>)
      %slice3A_182 = vector.extract_strided_slice %get3A_52 {offsets = [6], sizes = [1], strides = [1]} : vector<16xi32> to vector<1xi32>
      %squeeze3A_183 = vector.extract %slice3A_182[0] : i32 from vector<1xi32>
      %mul3A_184 = arith.constant 16 : i32
      %mul3A_185 = arith.muli %scan3A_46, %mul3A_184 : i32
      %add3A_186 = arith.constant 6 : i32
      %add3A_187 = arith.addi %mul3A_185, %add3A_186 : i32
      %dma_start3A_188 = arith.constant 0 : i32
      %dma_start3A_189 = tpu.memref_slice %arg7[%add3A_187, %dma_start3A_188] : memref<256x32xf32, #tpu.memory_space<vmem>> -> memref<1x32xf32, #tpu.memory_space<vmem>>
      %dma_start3A_190 = arith.constant 0 : i32
      %dma_start3A_191 = tpu.memref_slice %arg3[%squeeze3A_183, %dma_start3A_190] : memref<1000000x32xf32, #tpu.memory_space<hbm>> -> memref<1x32xf32, #tpu.memory_space<hbm>>
      %dma_start3A_192 = arith.constant 0 : i32
      %dma_start3A_193 = tpu.memref_slice %arg7[%add3A_187, %dma_start3A_192] : memref<256x32xf32, #tpu.memory_space<vmem>> -> memref<1x32xf32, #tpu.memory_space<vmem>>
      %dma_start3A_194 = arith.constant 0 : i32
      %dma_start3A_195 = tpu.memref_slice %arg3[%squeeze3A_183, %dma_start3A_194] : memref<1000000x32xf32, #tpu.memory_space<hbm>> -> memref<1x32xf32, #tpu.memory_space<hbm>>
      tpu.enqueue_dma source(%dma_start3A_195 : memref<1x32xf32, #tpu.memory_space<hbm>>) target(%dma_start3A_193 : memref<1x32xf32, #tpu.memory_space<vmem>>) target_semaphore(%arg9 : memref<!tpu.dma_semaphore, #tpu.memory_space<semaphore_mem>>)
      %dma_start3A_196 = arith.constant 0 : i32
      %dma_start3A_197 = tpu.memref_slice %arg8[%add3A_187, %dma_start3A_196] : memref<256x32xf32, #tpu.memory_space<vmem>> -> memref<1x32xf32, #tpu.memory_space<vmem>>
      %dma_start3A_198 = arith.constant 0 : i32
      %dma_start3A_199 = tpu.memref_slice %arg4[%squeeze3A_183, %dma_start3A_198] : memref<1000000x32xf32, #tpu.memory_space<hbm>> -> memref<1x32xf32, #tpu.memory_space<hbm>>
      %dma_start3A_200 = arith.constant 0 : i32
      %dma_start3A_201 = tpu.memref_slice %arg8[%add3A_187, %dma_start3A_200] : memref<256x32xf32, #tpu.memory_space<vmem>> -> memref<1x32xf32, #tpu.memory_space<vmem>>
      %dma_start3A_202 = arith.constant 0 : i32
      %dma_start3A_203 = tpu.memref_slice %arg4[%squeeze3A_183, %dma_start3A_202] : memref<1000000x32xf32, #tpu.memory_space<hbm>> -> memref<1x32xf32, #tpu.memory_space<hbm>>
      tpu.enqueue_dma source(%dma_start3A_203 : memref<1x32xf32, #tpu.memory_space<hbm>>) target(%dma_start3A_201 : memref<1x32xf32, #tpu.memory_space<vmem>>) target_semaphore(%arg9 : memref<!tpu.dma_semaphore, #tpu.memory_space<semaphore_mem>>)
      %slice3A_204 = vector.extract_strided_slice %get3A_52 {offsets = [7], sizes = [1], strides = [1]} : vector<16xi32> to vector<1xi32>
      %squeeze3A_205 = vector.extract %slice3A_204[0] : i32 from vector<1xi32>
      %mul3A_206 = arith.constant 16 : i32
      %mul3A_207 = arith.muli %scan3A_46, %mul3A_206 : i32
      %add3A_208 = arith.constant 7 : i32
      %add3A_209 = arith.addi %mul3A_207, %add3A_208 : i32
      %dma_start3A_210 = arith.constant 0 : i32
      %dma_start3A_211 = tpu.memref_slice %arg7[%add3A_209, %dma_start3A_210] : memref<256x32xf32, #tpu.memory_space<vmem>> -> memref<1x32xf32, #tpu.memory_space<vmem>>
      %dma_start3A_212 = arith.constant 0 : i32
      %dma_start3A_213 = tpu.memref_slice %arg3[%squeeze3A_205, %dma_start3A_212] : memref<1000000x32xf32, #tpu.memory_space<hbm>> -> memref<1x32xf32, #tpu.memory_space<hbm>>
      %dma_start3A_214 = arith.constant 0 : i32
      %dma_start3A_215 = tpu.memref_slice %arg7[%add3A_209, %dma_start3A_214] : memref<256x32xf32, #tpu.memory_space<vmem>> -> memref<1x32xf32, #tpu.memory_space<vmem>>
      %dma_start3A_216 = arith.constant 0 : i32
      %dma_start3A_217 = tpu.memref_slice %arg3[%squeeze3A_205, %dma_start3A_216] : memref<1000000x32xf32, #tpu.memory_space<hbm>> -> memref<1x32xf32, #tpu.memory_space<hbm>>
      tpu.enqueue_dma source(%dma_start3A_217 : memref<1x32xf32, #tpu.memory_space<hbm>>) target(%dma_start3A_215 : memref<1x32xf32, #tpu.memory_space<vmem>>) target_semaphore(%arg9 : memref<!tpu.dma_semaphore, #tpu.memory_space<semaphore_mem>>)
      %dma_start3A_218 = arith.constant 0 : i32
      %dma_start3A_219 = tpu.memref_slice %arg8[%add3A_209, %dma_start3A_218] : memref<256x32xf32, #tpu.memory_space<vmem>> -> memref<1x32xf32, #tpu.memory_space<vmem>>
      %dma_start3A_220 = arith.constant 0 : i32
      %dma_start3A_221 = tpu.memref_slice %arg4[%squeeze3A_205, %dma_start3A_220] : memref<1000000x32xf32, #tpu.memory_space<hbm>> -> memref<1x32xf32, #tpu.memory_space<hbm>>
      %dma_start3A_222 = arith.constant 0 : i32
      %dma_start3A_223 = tpu.memref_slice %arg8[%add3A_209, %dma_start3A_222] : memref<256x32xf32, #tpu.memory_space<vmem>> -> memref<1x32xf32, #tpu.memory_space<vmem>>
      %dma_start3A_224 = arith.constant 0 : i32
      %dma_start3A_225 = tpu.memref_slice %arg4[%squeeze3A_205, %dma_start3A_224] : memref<1000000x32xf32, #tpu.memory_space<hbm>> -> memref<1x32xf32, #tpu.memory_space<hbm>>
      tpu.enqueue_dma source(%dma_start3A_225 : memref<1x32xf32, #tpu.memory_space<hbm>>) target(%dma_start3A_223 : memref<1x32xf32, #tpu.memory_space<vmem>>) target_semaphore(%arg9 : memref<!tpu.dma_semaphore, #tpu.memory_space<semaphore_mem>>)
      %slice3A_226 = vector.extract_strided_slice %get3A_52 {offsets = [8], sizes = [1], strides = [1]} : vector<16xi32> to vector<1xi32>
      %squeeze3A_227 = vector.extract %slice3A_226[0] : i32 from vector<1xi32>
      %mul3A_228 = arith.constant 16 : i32
      %mul3A_229 = arith.muli %scan3A_46, %mul3A_228 : i32
      %add3A_230 = arith.constant 8 : i32
      %add3A_231 = arith.addi %mul3A_229, %add3A_230 : i32
      %dma_start3A_232 = arith.constant 0 : i32
      %dma_start3A_233 = tpu.memref_slice %arg7[%add3A_231, %dma_start3A_232] : memref<256x32xf32, #tpu.memory_space<vmem>> -> memref<1x32xf32, #tpu.memory_space<vmem>>
      %dma_start3A_234 = arith.constant 0 : i32
      %dma_start3A_235 = tpu.memref_slice %arg3[%squeeze3A_227, %dma_start3A_234] : memref<1000000x32xf32, #tpu.memory_space<hbm>> -> memref<1x32xf32, #tpu.memory_space<hbm>>
      %dma_start3A_236 = arith.constant 0 : i32
      %dma_start3A_237 = tpu.memref_slice %arg7[%add3A_231, %dma_start3A_236] : memref<256x32xf32, #tpu.memory_space<vmem>> -> memref<1x32xf32, #tpu.memory_space<vmem>>
      %dma_start3A_238 = arith.constant 0 : i32
      %dma_start3A_239 = tpu.memref_slice %arg3[%squeeze3A_227, %dma_start3A_238] : memref<1000000x32xf32, #tpu.memory_space<hbm>> -> memref<1x32xf32, #tpu.memory_space<hbm>>
      tpu.enqueue_dma source(%dma_start3A_239 : memref<1x32xf32, #tpu.memory_space<hbm>>) target(%dma_start3A_237 : memref<1x32xf32, #tpu.memory_space<vmem>>) target_semaphore(%arg9 : memref<!tpu.dma_semaphore, #tpu.memory_space<semaphore_mem>>)
      %dma_start3A_240 = arith.constant 0 : i32
      %dma_start3A_241 = tpu.memref_slice %arg8[%add3A_231, %dma_start3A_240] : memref<256x32xf32, #tpu.memory_space<vmem>> -> memref<1x32xf32, #tpu.memory_space<vmem>>
      %dma_start3A_242 = arith.constant 0 : i32
      %dma_start3A_243 = tpu.memref_slice %arg4[%squeeze3A_227, %dma_start3A_242] : memref<1000000x32xf32, #tpu.memory_space<hbm>> -> memref<1x32xf32, #tpu.memory_space<hbm>>
      %dma_start3A_244 = arith.constant 0 : i32
      %dma_start3A_245 = tpu.memref_slice %arg8[%add3A_231, %dma_start3A_244] : memref<256x32xf32, #tpu.memory_space<vmem>> -> memref<1x32xf32, #tpu.memory_space<vmem>>
      %dma_start3A_246 = arith.constant 0 : i32
      %dma_start3A_247 = tpu.memref_slice %arg4[%squeeze3A_227, %dma_start3A_246] : memref<1000000x32xf32, #tpu.memory_space<hbm>> -> memref<1x32xf32, #tpu.memory_space<hbm>>
      tpu.enqueue_dma source(%dma_start3A_247 : memref<1x32xf32, #tpu.memory_space<hbm>>) target(%dma_start3A_245 : memref<1x32xf32, #tpu.memory_space<vmem>>) target_semaphore(%arg9 : memref<!tpu.dma_semaphore, #tpu.memory_space<semaphore_mem>>)
      %slice3A_248 = vector.extract_strided_slice %get3A_52 {offsets = [9], sizes = [1], strides = [1]} : vector<16xi32> to vector<1xi32>
      %squeeze3A_249 = vector.extract %slice3A_248[0] : i32 from vector<1xi32>
      %mul3A_250 = arith.constant 16 : i32
      %mul3A_251 = arith.muli %scan3A_46, %mul3A_250 : i32
      %add3A_252 = arith.constant 9 : i32
      %add3A_253 = arith.addi %mul3A_251, %add3A_252 : i32
      %dma_start3A_254 = arith.constant 0 : i32
      %dma_start3A_255 = tpu.memref_slice %arg7[%add3A_253, %dma_start3A_254] : memref<256x32xf32, #tpu.memory_space<vmem>> -> memref<1x32xf32, #tpu.memory_space<vmem>>
      %dma_start3A_256 = arith.constant 0 : i32
      %dma_start3A_257 = tpu.memref_slice %arg3[%squeeze3A_249, %dma_start3A_256] : memref<1000000x32xf32, #tpu.memory_space<hbm>> -> memref<1x32xf32, #tpu.memory_space<hbm>>
      %dma_start3A_258 = arith.constant 0 : i32
      %dma_start3A_259 = tpu.memref_slice %arg7[%add3A_253, %dma_start3A_258] : memref<256x32xf32, #tpu.memory_space<vmem>> -> memref<1x32xf32, #tpu.memory_space<vmem>>
      %dma_start3A_260 = arith.constant 0 : i32
      %dma_start3A_261 = tpu.memref_slice %arg3[%squeeze3A_249, %dma_start3A_260] : memref<1000000x32xf32, #tpu.memory_space<hbm>> -> memref<1x32xf32, #tpu.memory_space<hbm>>
      tpu.enqueue_dma source(%dma_start3A_261 : memref<1x32xf32, #tpu.memory_space<hbm>>) target(%dma_start3A_259 : memref<1x32xf32, #tpu.memory_space<vmem>>) target_semaphore(%arg9 : memref<!tpu.dma_semaphore, #tpu.memory_space<semaphore_mem>>)
      %dma_start3A_262 = arith.constant 0 : i32
      %dma_start3A_263 = tpu.memref_slice %arg8[%add3A_253, %dma_start3A_262] : memref<256x32xf32, #tpu.memory_space<vmem>> -> memref<1x32xf32, #tpu.memory_space<vmem>>
      %dma_start3A_264 = arith.constant 0 : i32
      %dma_start3A_265 = tpu.memref_slice %arg4[%squeeze3A_249, %dma_start3A_264] : memref<1000000x32xf32, #tpu.memory_space<hbm>> -> memref<1x32xf32, #tpu.memory_space<hbm>>
      %dma_start3A_266 = arith.constant 0 : i32
      %dma_start3A_267 = tpu.memref_slice %arg8[%add3A_253, %dma_start3A_266] : memref<256x32xf32, #tpu.memory_space<vmem>> -> memref<1x32xf32, #tpu.memory_space<vmem>>
      %dma_start3A_268 = arith.constant 0 : i32
      %dma_start3A_269 = tpu.memref_slice %arg4[%squeeze3A_249, %dma_start3A_268] : memref<1000000x32xf32, #tpu.memory_space<hbm>> -> memref<1x32xf32, #tpu.memory_space<hbm>>
      tpu.enqueue_dma source(%dma_start3A_269 : memref<1x32xf32, #tpu.memory_space<hbm>>) target(%dma_start3A_267 : memref<1x32xf32, #tpu.memory_space<vmem>>) target_semaphore(%arg9 : memref<!tpu.dma_semaphore, #tpu.memory_space<semaphore_mem>>)
      %slice3A_270 = vector.extract_strided_slice %get3A_52 {offsets = [10], sizes = [1], strides = [1]} : vector<16xi32> to vector<1xi32>
      %squeeze3A_271 = vector.extract %slice3A_270[0] : i32 from vector<1xi32>
      %mul3A_272 = arith.constant 16 : i32
      %mul3A_273 = arith.muli %scan3A_46, %mul3A_272 : i32
      %add3A_274 = arith.constant 10 : i32
      %add3A_275 = arith.addi %mul3A_273, %add3A_274 : i32
      %dma_start3A_276 = arith.constant 0 : i32
      %dma_start3A_277 = tpu.memref_slice %arg7[%add3A_275, %dma_start3A_276] : memref<256x32xf32, #tpu.memory_space<vmem>> -> memref<1x32xf32, #tpu.memory_space<vmem>>
      %dma_start3A_278 = arith.constant 0 : i32
      %dma_start3A_279 = tpu.memref_slice %arg3[%squeeze3A_271, %dma_start3A_278] : memref<1000000x32xf32, #tpu.memory_space<hbm>> -> memref<1x32xf32, #tpu.memory_space<hbm>>
      %dma_start3A_280 = arith.constant 0 : i32
      %dma_start3A_281 = tpu.memref_slice %arg7[%add3A_275, %dma_start3A_280] : memref<256x32xf32, #tpu.memory_space<vmem>> -> memref<1x32xf32, #tpu.memory_space<vmem>>
      %dma_start3A_282 = arith.constant 0 : i32
      %dma_start3A_283 = tpu.memref_slice %arg3[%squeeze3A_271, %dma_start3A_282] : memref<1000000x32xf32, #tpu.memory_space<hbm>> -> memref<1x32xf32, #tpu.memory_space<hbm>>
      tpu.enqueue_dma source(%dma_start3A_283 : memref<1x32xf32, #tpu.memory_space<hbm>>) target(%dma_start3A_281 : memref<1x32xf32, #tpu.memory_space<vmem>>) target_semaphore(%arg9 : memref<!tpu.dma_semaphore, #tpu.memory_space<semaphore_mem>>)
      %dma_start3A_284 = arith.constant 0 : i32
      %dma_start3A_285 = tpu.memref_slice %arg8[%add3A_275, %dma_start3A_284] : memref<256x32xf32, #tpu.memory_space<vmem>> -> memref<1x32xf32, #tpu.memory_space<vmem>>
      %dma_start3A_286 = arith.constant 0 : i32
      %dma_start3A_287 = tpu.memref_slice %arg4[%squeeze3A_271, %dma_start3A_286] : memref<1000000x32xf32, #tpu.memory_space<hbm>> -> memref<1x32xf32, #tpu.memory_space<hbm>>
      %dma_start3A_288 = arith.constant 0 : i32
      %dma_start3A_289 = tpu.memref_slice %arg8[%add3A_275, %dma_start3A_288] : memref<256x32xf32, #tpu.memory_space<vmem>> -> memref<1x32xf32, #tpu.memory_space<vmem>>
      %dma_start3A_290 = arith.constant 0 : i32
      %dma_start3A_291 = tpu.memref_slice %arg4[%squeeze3A_271, %dma_start3A_290] : memref<1000000x32xf32, #tpu.memory_space<hbm>> -> memref<1x32xf32, #tpu.memory_space<hbm>>
      tpu.enqueue_dma source(%dma_start3A_291 : memref<1x32xf32, #tpu.memory_space<hbm>>) target(%dma_start3A_289 : memref<1x32xf32, #tpu.memory_space<vmem>>) target_semaphore(%arg9 : memref<!tpu.dma_semaphore, #tpu.memory_space<semaphore_mem>>)
      %slice3A_292 = vector.extract_strided_slice %get3A_52 {offsets = [11], sizes = [1], strides = [1]} : vector<16xi32> to vector<1xi32>
      %squeeze3A_293 = vector.extract %slice3A_292[0] : i32 from vector<1xi32>
      %mul3A_294 = arith.constant 16 : i32
      %mul3A_295 = arith.muli %scan3A_46, %mul3A_294 : i32
      %add3A_296 = arith.constant 11 : i32
      %add3A_297 = arith.addi %mul3A_295, %add3A_296 : i32
      %dma_start3A_298 = arith.constant 0 : i32
      %dma_start3A_299 = tpu.memref_slice %arg7[%add3A_297, %dma_start3A_298] : memref<256x32xf32, #tpu.memory_space<vmem>> -> memref<1x32xf32, #tpu.memory_space<vmem>>
      %dma_start3A_300 = arith.constant 0 : i32
      %dma_start3A_301 = tpu.memref_slice %arg3[%squeeze3A_293, %dma_start3A_300] : memref<1000000x32xf32, #tpu.memory_space<hbm>> -> memref<1x32xf32, #tpu.memory_space<hbm>>
      %dma_start3A_302 = arith.constant 0 : i32
      %dma_start3A_303 = tpu.memref_slice %arg7[%add3A_297, %dma_start3A_302] : memref<256x32xf32, #tpu.memory_space<vmem>> -> memref<1x32xf32, #tpu.memory_space<vmem>>
      %dma_start3A_304 = arith.constant 0 : i32
      %dma_start3A_305 = tpu.memref_slice %arg3[%squeeze3A_293, %dma_start3A_304] : memref<1000000x32xf32, #tpu.memory_space<hbm>> -> memref<1x32xf32, #tpu.memory_space<hbm>>
      tpu.enqueue_dma source(%dma_start3A_305 : memref<1x32xf32, #tpu.memory_space<hbm>>) target(%dma_start3A_303 : memref<1x32xf32, #tpu.memory_space<vmem>>) target_semaphore(%arg9 : memref<!tpu.dma_semaphore, #tpu.memory_space<semaphore_mem>>)
      %dma_start3A_306 = arith.constant 0 : i32
      %dma_start3A_307 = tpu.memref_slice %arg8[%add3A_297, %dma_start3A_306] : memref<256x32xf32, #tpu.memory_space<vmem>> -> memref<1x32xf32, #tpu.memory_space<vmem>>
      %dma_start3A_308 = arith.constant 0 : i32
      %dma_start3A_309 = tpu.memref_slice %arg4[%squeeze3A_293, %dma_start3A_308] : memref<1000000x32xf32, #tpu.memory_space<hbm>> -> memref<1x32xf32, #tpu.memory_space<hbm>>
      %dma_start3A_310 = arith.constant 0 : i32
      %dma_start3A_311 = tpu.memref_slice %arg8[%add3A_297, %dma_start3A_310] : memref<256x32xf32, #tpu.memory_space<vmem>> -> memref<1x32xf32, #tpu.memory_space<vmem>>
      %dma_start3A_312 = arith.constant 0 : i32
      %dma_start3A_313 = tpu.memref_slice %arg4[%squeeze3A_293, %dma_start3A_312] : memref<1000000x32xf32, #tpu.memory_space<hbm>> -> memref<1x32xf32, #tpu.memory_space<hbm>>
      tpu.enqueue_dma source(%dma_start3A_313 : memref<1x32xf32, #tpu.memory_space<hbm>>) target(%dma_start3A_311 : memref<1x32xf32, #tpu.memory_space<vmem>>) target_semaphore(%arg9 : memref<!tpu.dma_semaphore, #tpu.memory_space<semaphore_mem>>)
      %slice3A_314 = vector.extract_strided_slice %get3A_52 {offsets = [12], sizes = [1], strides = [1]} : vector<16xi32> to vector<1xi32>
      %squeeze3A_315 = vector.extract %slice3A_314[0] : i32 from vector<1xi32>
      %mul3A_316 = arith.constant 16 : i32
      %mul3A_317 = arith.muli %scan3A_46, %mul3A_316 : i32
      %add3A_318 = arith.constant 12 : i32
      %add3A_319 = arith.addi %mul3A_317, %add3A_318 : i32
      %dma_start3A_320 = arith.constant 0 : i32
      %dma_start3A_321 = tpu.memref_slice %arg7[%add3A_319, %dma_start3A_320] : memref<256x32xf32, #tpu.memory_space<vmem>> -> memref<1x32xf32, #tpu.memory_space<vmem>>
      %dma_start3A_322 = arith.constant 0 : i32
      %dma_start3A_323 = tpu.memref_slice %arg3[%squeeze3A_315, %dma_start3A_322] : memref<1000000x32xf32, #tpu.memory_space<hbm>> -> memref<1x32xf32, #tpu.memory_space<hbm>>
      %dma_start3A_324 = arith.constant 0 : i32
      %dma_start3A_325 = tpu.memref_slice %arg7[%add3A_319, %dma_start3A_324] : memref<256x32xf32, #tpu.memory_space<vmem>> -> memref<1x32xf32, #tpu.memory_space<vmem>>
      %dma_start3A_326 = arith.constant 0 : i32
      %dma_start3A_327 = tpu.memref_slice %arg3[%squeeze3A_315, %dma_start3A_326] : memref<1000000x32xf32, #tpu.memory_space<hbm>> -> memref<1x32xf32, #tpu.memory_space<hbm>>
      tpu.enqueue_dma source(%dma_start3A_327 : memref<1x32xf32, #tpu.memory_space<hbm>>) target(%dma_start3A_325 : memref<1x32xf32, #tpu.memory_space<vmem>>) target_semaphore(%arg9 : memref<!tpu.dma_semaphore, #tpu.memory_space<semaphore_mem>>)
      %dma_start3A_328 = arith.constant 0 : i32
      %dma_start3A_329 = tpu.memref_slice %arg8[%add3A_319, %dma_start3A_328] : memref<256x32xf32, #tpu.memory_space<vmem>> -> memref<1x32xf32, #tpu.memory_space<vmem>>
      %dma_start3A_330 = arith.constant 0 : i32
      %dma_start3A_331 = tpu.memref_slice %arg4[%squeeze3A_315, %dma_start3A_330] : memref<1000000x32xf32, #tpu.memory_space<hbm>> -> memref<1x32xf32, #tpu.memory_space<hbm>>
      %dma_start3A_332 = arith.constant 0 : i32
      %dma_start3A_333 = tpu.memref_slice %arg8[%add3A_319, %dma_start3A_332] : memref<256x32xf32, #tpu.memory_space<vmem>> -> memref<1x32xf32, #tpu.memory_space<vmem>>
      %dma_start3A_334 = arith.constant 0 : i32
      %dma_start3A_335 = tpu.memref_slice %arg4[%squeeze3A_315, %dma_start3A_334] : memref<1000000x32xf32, #tpu.memory_space<hbm>> -> memref<1x32xf32, #tpu.memory_space<hbm>>
      tpu.enqueue_dma source(%dma_start3A_335 : memref<1x32xf32, #tpu.memory_space<hbm>>) target(%dma_start3A_333 : memref<1x32xf32, #tpu.memory_space<vmem>>) target_semaphore(%arg9 : memref<!tpu.dma_semaphore, #tpu.memory_space<semaphore_mem>>)
      %slice3A_336 = vector.extract_strided_slice %get3A_52 {offsets = [13], sizes = [1], strides = [1]} : vector<16xi32> to vector<1xi32>
      %squeeze3A_337 = vector.extract %slice3A_336[0] : i32 from vector<1xi32>
      %mul3A_338 = arith.constant 16 : i32
      %mul3A_339 = arith.muli %scan3A_46, %mul3A_338 : i32
      %add3A_340 = arith.constant 13 : i32
      %add3A_341 = arith.addi %mul3A_339, %add3A_340 : i32
      %dma_start3A_342 = arith.constant 0 : i32
      %dma_start3A_343 = tpu.memref_slice %arg7[%add3A_341, %dma_start3A_342] : memref<256x32xf32, #tpu.memory_space<vmem>> -> memref<1x32xf32, #tpu.memory_space<vmem>>
      %dma_start3A_344 = arith.constant 0 : i32
      %dma_start3A_345 = tpu.memref_slice %arg3[%squeeze3A_337, %dma_start3A_344] : memref<1000000x32xf32, #tpu.memory_space<hbm>> -> memref<1x32xf32, #tpu.memory_space<hbm>>
      %dma_start3A_346 = arith.constant 0 : i32
      %dma_start3A_347 = tpu.memref_slice %arg7[%add3A_341, %dma_start3A_346] : memref<256x32xf32, #tpu.memory_space<vmem>> -> memref<1x32xf32, #tpu.memory_space<vmem>>
      %dma_start3A_348 = arith.constant 0 : i32
      %dma_start3A_349 = tpu.memref_slice %arg3[%squeeze3A_337, %dma_start3A_348] : memref<1000000x32xf32, #tpu.memory_space<hbm>> -> memref<1x32xf32, #tpu.memory_space<hbm>>
      tpu.enqueue_dma source(%dma_start3A_349 : memref<1x32xf32, #tpu.memory_space<hbm>>) target(%dma_start3A_347 : memref<1x32xf32, #tpu.memory_space<vmem>>) target_semaphore(%arg9 : memref<!tpu.dma_semaphore, #tpu.memory_space<semaphore_mem>>)
      %dma_start3A_350 = arith.constant 0 : i32
      %dma_start3A_351 = tpu.memref_slice %arg8[%add3A_341, %dma_start3A_350] : memref<256x32xf32, #tpu.memory_space<vmem>> -> memref<1x32xf32, #tpu.memory_space<vmem>>
      %dma_start3A_352 = arith.constant 0 : i32
      %dma_start3A_353 = tpu.memref_slice %arg4[%squeeze3A_337, %dma_start3A_352] : memref<1000000x32xf32, #tpu.memory_space<hbm>> -> memref<1x32xf32, #tpu.memory_space<hbm>>
      %dma_start3A_354 = arith.constant 0 : i32
      %dma_start3A_355 = tpu.memref_slice %arg8[%add3A_341, %dma_start3A_354] : memref<256x32xf32, #tpu.memory_space<vmem>> -> memref<1x32xf32, #tpu.memory_space<vmem>>
      %dma_start3A_356 = arith.constant 0 : i32
      %dma_start3A_357 = tpu.memref_slice %arg4[%squeeze3A_337, %dma_start3A_356] : memref<1000000x32xf32, #tpu.memory_space<hbm>> -> memref<1x32xf32, #tpu.memory_space<hbm>>
      tpu.enqueue_dma source(%dma_start3A_357 : memref<1x32xf32, #tpu.memory_space<hbm>>) target(%dma_start3A_355 : memref<1x32xf32, #tpu.memory_space<vmem>>) target_semaphore(%arg9 : memref<!tpu.dma_semaphore, #tpu.memory_space<semaphore_mem>>)
      %slice3A_358 = vector.extract_strided_slice %get3A_52 {offsets = [14], sizes = [1], strides = [1]} : vector<16xi32> to vector<1xi32>
      %squeeze3A_359 = vector.extract %slice3A_358[0] : i32 from vector<1xi32>
      %mul3A_360 = arith.constant 16 : i32
      %mul3A_361 = arith.muli %scan3A_46, %mul3A_360 : i32
      %add3A_362 = arith.constant 14 : i32
      %add3A_363 = arith.addi %mul3A_361, %add3A_362 : i32
      %dma_start3A_364 = arith.constant 0 : i32
      %dma_start3A_365 = tpu.memref_slice %arg7[%add3A_363, %dma_start3A_364] : memref<256x32xf32, #tpu.memory_space<vmem>> -> memref<1x32xf32, #tpu.memory_space<vmem>>
      %dma_start3A_366 = arith.constant 0 : i32
      %dma_start3A_367 = tpu.memref_slice %arg3[%squeeze3A_359, %dma_start3A_366] : memref<1000000x32xf32, #tpu.memory_space<hbm>> -> memref<1x32xf32, #tpu.memory_space<hbm>>
      %dma_start3A_368 = arith.constant 0 : i32
      %dma_start3A_369 = tpu.memref_slice %arg7[%add3A_363, %dma_start3A_368] : memref<256x32xf32, #tpu.memory_space<vmem>> -> memref<1x32xf32, #tpu.memory_space<vmem>>
      %dma_start3A_370 = arith.constant 0 : i32
      %dma_start3A_371 = tpu.memref_slice %arg3[%squeeze3A_359, %dma_start3A_370] : memref<1000000x32xf32, #tpu.memory_space<hbm>> -> memref<1x32xf32, #tpu.memory_space<hbm>>
      tpu.enqueue_dma source(%dma_start3A_371 : memref<1x32xf32, #tpu.memory_space<hbm>>) target(%dma_start3A_369 : memref<1x32xf32, #tpu.memory_space<vmem>>) target_semaphore(%arg9 : memref<!tpu.dma_semaphore, #tpu.memory_space<semaphore_mem>>)
      %dma_start3A_372 = arith.constant 0 : i32
      %dma_start3A_373 = tpu.memref_slice %arg8[%add3A_363, %dma_start3A_372] : memref<256x32xf32, #tpu.memory_space<vmem>> -> memref<1x32xf32, #tpu.memory_space<vmem>>
      %dma_start3A_374 = arith.constant 0 : i32
      %dma_start3A_375 = tpu.memref_slice %arg4[%squeeze3A_359, %dma_start3A_374] : memref<1000000x32xf32, #tpu.memory_space<hbm>> -> memref<1x32xf32, #tpu.memory_space<hbm>>
      %dma_start3A_376 = arith.constant 0 : i32
      %dma_start3A_377 = tpu.memref_slice %arg8[%add3A_363, %dma_start3A_376] : memref<256x32xf32, #tpu.memory_space<vmem>> -> memref<1x32xf32, #tpu.memory_space<vmem>>
      %dma_start3A_378 = arith.constant 0 : i32
      %dma_start3A_379 = tpu.memref_slice %arg4[%squeeze3A_359, %dma_start3A_378] : memref<1000000x32xf32, #tpu.memory_space<hbm>> -> memref<1x32xf32, #tpu.memory_space<hbm>>
      tpu.enqueue_dma source(%dma_start3A_379 : memref<1x32xf32, #tpu.memory_space<hbm>>) target(%dma_start3A_377 : memref<1x32xf32, #tpu.memory_space<vmem>>) target_semaphore(%arg9 : memref<!tpu.dma_semaphore, #tpu.memory_space<semaphore_mem>>)
      %slice3A_380 = vector.extract_strided_slice %get3A_52 {offsets = [15], sizes = [1], strides = [1]} : vector<16xi32> to vector<1xi32>
      %squeeze3A_381 = vector.extract %slice3A_380[0] : i32 from vector<1xi32>
      %mul3A_382 = arith.constant 16 : i32
      %mul3A_383 = arith.muli %scan3A_46, %mul3A_382 : i32
      %add3A_384 = arith.constant 15 : i32
      %add3A_385 = arith.addi %mul3A_383, %add3A_384 : i32
      %dma_start3A_386 = arith.constant 0 : i32
      %dma_start3A_387 = tpu.memref_slice %arg7[%add3A_385, %dma_start3A_386] : memref<256x32xf32, #tpu.memory_space<vmem>> -> memref<1x32xf32, #tpu.memory_space<vmem>>
      %dma_start3A_388 = arith.constant 0 : i32
      %dma_start3A_389 = tpu.memref_slice %arg3[%squeeze3A_381, %dma_start3A_388] : memref<1000000x32xf32, #tpu.memory_space<hbm>> -> memref<1x32xf32, #tpu.memory_space<hbm>>
      %dma_start3A_390 = arith.constant 0 : i32
      %dma_start3A_391 = tpu.memref_slice %arg7[%add3A_385, %dma_start3A_390] : memref<256x32xf32, #tpu.memory_space<vmem>> -> memref<1x32xf32, #tpu.memory_space<vmem>>
      %dma_start3A_392 = arith.constant 0 : i32
      %dma_start3A_393 = tpu.memref_slice %arg3[%squeeze3A_381, %dma_start3A_392] : memref<1000000x32xf32, #tpu.memory_space<hbm>> -> memref<1x32xf32, #tpu.memory_space<hbm>>
      tpu.enqueue_dma source(%dma_start3A_393 : memref<1x32xf32, #tpu.memory_space<hbm>>) target(%dma_start3A_391 : memref<1x32xf32, #tpu.memory_space<vmem>>) target_semaphore(%arg9 : memref<!tpu.dma_semaphore, #tpu.memory_space<semaphore_mem>>)
      %dma_start3A_394 = arith.constant 0 : i32
      %dma_start3A_395 = tpu.memref_slice %arg8[%add3A_385, %dma_start3A_394] : memref<256x32xf32, #tpu.memory_space<vmem>> -> memref<1x32xf32, #tpu.memory_space<vmem>>
      %dma_start3A_396 = arith.constant 0 : i32
      %dma_start3A_397 = tpu.memref_slice %arg4[%squeeze3A_381, %dma_start3A_396] : memref<1000000x32xf32, #tpu.memory_space<hbm>> -> memref<1x32xf32, #tpu.memory_space<hbm>>
      %dma_start3A_398 = arith.constant 0 : i32
      %dma_start3A_399 = tpu.memref_slice %arg8[%add3A_385, %dma_start3A_398] : memref<256x32xf32, #tpu.memory_space<vmem>> -> memref<1x32xf32, #tpu.memory_space<vmem>>
      %dma_start3A_400 = arith.constant 0 : i32
      %dma_start3A_401 = tpu.memref_slice %arg4[%squeeze3A_381, %dma_start3A_400] : memref<1000000x32xf32, #tpu.memory_space<hbm>> -> memref<1x32xf32, #tpu.memory_space<hbm>>
      tpu.enqueue_dma source(%dma_start3A_401 : memref<1x32xf32, #tpu.memory_space<hbm>>) target(%dma_start3A_399 : memref<1x32xf32, #tpu.memory_space<vmem>>) target_semaphore(%arg9 : memref<!tpu.dma_semaphore, #tpu.memory_space<semaphore_mem>>)
    }
    %scan3A_6 = arith.constant 16 : i32
    %dma_wait3A = arith.constant 0 : i32
    %dma_wait3A_7 = arith.constant 0 : i32
    %dma_wait3A_8 = tpu.memref_slice %arg3[%dma_wait3A, %dma_wait3A_7] : memref<1000000x32xf32, #tpu.memory_space<hbm>> -> memref<256x32xf32, #tpu.memory_space<hbm>>
    %dma_wait3A_9 = arith.constant 0 : i32
    %dma_wait3A_10 = arith.constant 0 : i32
    %dma_wait3A_11 = tpu.memref_slice %arg3[%dma_wait3A_9, %dma_wait3A_10] : memref<1000000x32xf32, #tpu.memory_space<hbm>> -> memref<256x32xf32, #tpu.memory_space<hbm>>
    tpu.wait_dma2 semaphore(%arg9 : memref<!tpu.dma_semaphore, #tpu.memory_space<semaphore_mem>>) src(%dma_wait3A_11 : memref<256x32xf32, #tpu.memory_space<hbm>>) dst(%arg7 : memref<256x32xf32, #tpu.memory_space<vmem>>)
    %dma_wait3A_12 = arith.constant 0 : i32
    %dma_wait3A_13 = arith.constant 0 : i32
    %dma_wait3A_14 = tpu.memref_slice %arg4[%dma_wait3A_12, %dma_wait3A_13] : memref<1000000x32xf32, #tpu.memory_space<hbm>> -> memref<256x32xf32, #tpu.memory_space<hbm>>
    %dma_wait3A_15 = arith.constant 0 : i32
    %dma_wait3A_16 = arith.constant 0 : i32
    %dma_wait3A_17 = tpu.memref_slice %arg4[%dma_wait3A_15, %dma_wait3A_16] : memref<1000000x32xf32, #tpu.memory_space<hbm>> -> memref<256x32xf32, #tpu.memory_space<hbm>>
    tpu.wait_dma2 semaphore(%arg9 : memref<!tpu.dma_semaphore, #tpu.memory_space<semaphore_mem>>) src(%dma_wait3A_17 : memref<256x32xf32, #tpu.memory_space<hbm>>) dst(%arg8 : memref<256x32xf32, #tpu.memory_space<vmem>>)
    %add3A_18 = arith.constant 0 : i32
    %add3A_19 = arith.addi %mul3A_2, %add3A_18 : i32
    %run_scoped3A = arith.constant 0 : i32
    "tpu.region"() ({
      %run_scoped3A_46 = tpu.sem_alloc : memref<!tpu.dma_semaphore, #tpu.memory_space<semaphore_mem>>
      %dma_start3A = arith.constant 0 : i32
      %dma_start3A_47 = tpu.memref_slice %arg5[%run_scoped3A, %add3A_19, %dma_start3A] : memref<2x16384x32xf32, #tpu.memory_space<hbm>> -> memref<1x256x32xf32, #tpu.memory_space<hbm>>
      %dma_start3A_48 = tpu.memref_squeeze %dma_start3A_47 : memref<1x256x32xf32, #tpu.memory_space<hbm>> -> memref<256x32xf32, #tpu.memory_space<hbm>>
      %dma_start3A_49 = arith.constant 0 : i32
      %dma_start3A_50 = tpu.memref_slice %arg5[%run_scoped3A, %add3A_19, %dma_start3A_49] : memref<2x16384x32xf32, #tpu.memory_space<hbm>> -> memref<1x256x32xf32, #tpu.memory_space<hbm>>
      %dma_start3A_51 = tpu.memref_squeeze %dma_start3A_50 : memref<1x256x32xf32, #tpu.memory_space<hbm>> -> memref<256x32xf32, #tpu.memory_space<hbm>>
      tpu.enqueue_dma source(%arg7 : memref<256x32xf32, #tpu.memory_space<vmem>>) target(%dma_start3A_51 : memref<256x32xf32, #tpu.memory_space<hbm>>) target_semaphore(%run_scoped3A_46 : memref<!tpu.dma_semaphore, #tpu.memory_space<semaphore_mem>>)
      %dma_wait3A_52 = arith.constant 0 : i32
      %dma_wait3A_53 = tpu.memref_slice %arg5[%run_scoped3A, %add3A_19, %dma_wait3A_52] : memref<2x16384x32xf32, #tpu.memory_space<hbm>> -> memref<1x256x32xf32, #tpu.memory_space<hbm>>
      %dma_wait3A_54 = tpu.memref_squeeze %dma_wait3A_53 : memref<1x256x32xf32, #tpu.memory_space<hbm>> -> memref<256x32xf32, #tpu.memory_space<hbm>>
      %dma_wait3A_55 = arith.constant 0 : i32
      %dma_wait3A_56 = tpu.memref_slice %arg5[%run_scoped3A, %add3A_19, %dma_wait3A_55] : memref<2x16384x32xf32, #tpu.memory_space<hbm>> -> memref<1x256x32xf32, #tpu.memory_space<hbm>>
      %dma_wait3A_57 = tpu.memref_squeeze %dma_wait3A_56 : memref<1x256x32xf32, #tpu.memory_space<hbm>> -> memref<256x32xf32, #tpu.memory_space<hbm>>
      tpu.wait_dma2 semaphore(%run_scoped3A_46 : memref<!tpu.dma_semaphore, #tpu.memory_space<semaphore_mem>>) src(%arg7 : memref<256x32xf32, #tpu.memory_space<vmem>>) dst(%dma_wait3A_57 : memref<256x32xf32, #tpu.memory_space<hbm>>)
      tpu.yield
    }) : () -> ()
    %add3A_20 = arith.constant 0 : i32
    %add3A_21 = arith.addi %mul3A_2, %add3A_20 : i32
    %run_scoped3A_22 = arith.constant 1 : i32
    "tpu.region"() ({
      %run_scoped3A_46 = tpu.sem_alloc : memref<!tpu.dma_semaphore, #tpu.memory_space<semaphore_mem>>
      %dma_start3A = arith.constant 0 : i32
      %dma_start3A_47 = tpu.memref_slice %arg5[%run_scoped3A_22, %add3A_21, %dma_start3A] : memref<2x16384x32xf32, #tpu.memory_space<hbm>> -> memref<1x256x32xf32, #tpu.memory_space<hbm>>
      %dma_start3A_48 = tpu.memref_squeeze %dma_start3A_47 : memref<1x256x32xf32, #tpu.memory_space<hbm>> -> memref<256x32xf32, #tpu.memory_space<hbm>>
      %dma_start3A_49 = arith.constant 0 : i32
      %dma_start3A_50 = tpu.memref_slice %arg5[%run_scoped3A_22, %add3A_21, %dma_start3A_49] : memref<2x16384x32xf32, #tpu.memory_space<hbm>> -> memref<1x256x32xf32, #tpu.memory_space<hbm>>
      %dma_start3A_51 = tpu.memref_squeeze %dma_start3A_50 : memref<1x256x32xf32, #tpu.memory_space<hbm>> -> memref<256x32xf32, #tpu.memory_space<hbm>>
      tpu.enqueue_dma source(%arg8 : memref<256x32xf32, #tpu.memory_space<vmem>>) target(%dma_start3A_51 : memref<256x32xf32, #tpu.memory_space<hbm>>) target_semaphore(%run_scoped3A_46 : memref<!tpu.dma_semaphore, #tpu.memory_space<semaphore_mem>>)
      %dma_wait3A_52 = arith.constant 0 : i32
      %dma_wait3A_53 = tpu.memref_slice %arg5[%run_scoped3A_22, %add3A_21, %dma_wait3A_52] : memref<2x16384x32xf32, #tpu.memory_space<hbm>> -> memref<1x256x32xf32, #tpu.memory_space<hbm>>
      %dma_wait3A_54 = tpu.memref_squeeze %dma_wait3A_53 : memref<1x256x32xf32, #tpu.memory_space<hbm>> -> memref<256x32xf32, #tpu.memory_space<hbm>>
      %dma_wait3A_55 = arith.constant 0 : i32
      %dma_wait3A_56 = tpu.memref_slice %arg5[%run_scoped3A_22, %add3A_21, %dma_wait3A_55] : memref<2x16384x32xf32, #tpu.memory_space<hbm>> -> memref<1x256x32xf32, #tpu.memory_space<hbm>>
      %dma_wait3A_57 = tpu.memref_squeeze %dma_wait3A_56 : memref<1x256x32xf32, #tpu.memory_space<hbm>> -> memref<256x32xf32, #tpu.memory_space<hbm>>
      tpu.wait_dma2 semaphore(%run_scoped3A_46 : memref<!tpu.dma_semaphore, #tpu.memory_space<semaphore_mem>>) src(%arg8 : memref<256x32xf32, #tpu.memory_space<vmem>>) dst(%dma_wait3A_57 : memref<256x32xf32, #tpu.memory_space<hbm>>)
      tpu.yield
    }) : () -> ()
    %scan3A_23 = arith.constant 0 : i32
    %scan3A_24 = arith.constant 16 : i32
    %scan3A_25 = arith.addi %scan3A_23, %scan3A_24 : i32
    %scan3A_26 = arith.constant 1 : i32
    scf.for %scan3A_46 = %scan3A_23 to %scan3A_25 step %scan3A_26  : i32 {
      %mul3A_47 = arith.constant 16 : i32
      %mul3A_48 = arith.muli %scan3A_46, %mul3A_47 : i32
      %add3A_49 = arith.constant 256 : i32
      %add3A_50 = arith.addi %add3A_49, %mul3A_48 : i32
      %get3A = arith.index_cast %add3A_50 : i32 to index
      %get3A_51 = tpu.vector_load %arg6[%get3A] {strides = array<i32>} : memref<512xi32, #tpu.memory_space<vmem>>, vector<16xi32>,
      %get3A_52 = vector.shape_cast %get3A_51 : vector<16xi32> to vector<16xi32>
      %slice3A = vector.extract_strided_slice %get3A_52 {offsets = [0], sizes = [1], strides = [1]} : vector<16xi32> to vector<1xi32>
      %squeeze3A = vector.extract %slice3A[0] : i32 from vector<1xi32>
      %mul3A_53 = arith.constant 16 : i32
      %mul3A_54 = arith.muli %scan3A_46, %mul3A_53 : i32
      %add3A_55 = arith.constant 0 : i32
      %add3A_56 = arith.addi %mul3A_54, %add3A_55 : i32
      %dma_start3A = arith.constant 0 : i32
      %dma_start3A_57 = tpu.memref_slice %arg7[%add3A_56, %dma_start3A] : memref<256x32xf32, #tpu.memory_space<vmem>> -> memref<1x32xf32, #tpu.memory_space<vmem>>
      %dma_start3A_58 = arith.constant 0 : i32
      %dma_start3A_59 = tpu.memref_slice %arg3[%squeeze3A, %dma_start3A_58] : memref<1000000x32xf32, #tpu.memory_space<hbm>> -> memref<1x32xf32, #tpu.memory_space<hbm>>
      %dma_start3A_60 = arith.constant 0 : i32
      %dma_start3A_61 = tpu.memref_slice %arg7[%add3A_56, %dma_start3A_60] : memref<256x32xf32, #tpu.memory_space<vmem>> -> memref<1x32xf32, #tpu.memory_space<vmem>>
      %dma_start3A_62 = arith.constant 0 : i32
      %dma_start3A_63 = tpu.memref_slice %arg3[%squeeze3A, %dma_start3A_62] : memref<1000000x32xf32, #tpu.memory_space<hbm>> -> memref<1x32xf32, #tpu.memory_space<hbm>>
      tpu.enqueue_dma source(%dma_start3A_63 : memref<1x32xf32, #tpu.memory_space<hbm>>) target(%dma_start3A_61 : memref<1x32xf32, #tpu.memory_space<vmem>>) target_semaphore(%arg9 : memref<!tpu.dma_semaphore, #tpu.memory_space<semaphore_mem>>)
      %dma_start3A_64 = arith.constant 0 : i32
      %dma_start3A_65 = tpu.memref_slice %arg8[%add3A_56, %dma_start3A_64] : memref<256x32xf32, #tpu.memory_space<vmem>> -> memref<1x32xf32, #tpu.memory_space<vmem>>
      %dma_start3A_66 = arith.constant 0 : i32
      %dma_start3A_67 = tpu.memref_slice %arg4[%squeeze3A, %dma_start3A_66] : memref<1000000x32xf32, #tpu.memory_space<hbm>> -> memref<1x32xf32, #tpu.memory_space<hbm>>
      %dma_start3A_68 = arith.constant 0 : i32
      %dma_start3A_69 = tpu.memref_slice %arg8[%add3A_56, %dma_start3A_68] : memref<256x32xf32, #tpu.memory_space<vmem>> -> memref<1x32xf32, #tpu.memory_space<vmem>>
      %dma_start3A_70 = arith.constant 0 : i32
      %dma_start3A_71 = tpu.memref_slice %arg4[%squeeze3A, %dma_start3A_70] : memref<1000000x32xf32, #tpu.memory_space<hbm>> -> memref<1x32xf32, #tpu.memory_space<hbm>>
      tpu.enqueue_dma source(%dma_start3A_71 : memref<1x32xf32, #tpu.memory_space<hbm>>) target(%dma_start3A_69 : memref<1x32xf32, #tpu.memory_space<vmem>>) target_semaphore(%arg9 : memref<!tpu.dma_semaphore, #tpu.memory_space<semaphore_mem>>)
      %slice3A_72 = vector.extract_strided_slice %get3A_52 {offsets = [1], sizes = [1], strides = [1]} : vector<16xi32> to vector<1xi32>
      %squeeze3A_73 = vector.extract %slice3A_72[0] : i32 from vector<1xi32>
      %mul3A_74 = arith.constant 16 : i32
      %mul3A_75 = arith.muli %scan3A_46, %mul3A_74 : i32
      %add3A_76 = arith.constant 1 : i32
      %add3A_77 = arith.addi %mul3A_75, %add3A_76 : i32
      %dma_start3A_78 = arith.constant 0 : i32
      %dma_start3A_79 = tpu.memref_slice %arg7[%add3A_77, %dma_start3A_78] : memref<256x32xf32, #tpu.memory_space<vmem>> -> memref<1x32xf32, #tpu.memory_space<vmem>>
      %dma_start3A_80 = arith.constant 0 : i32
      %dma_start3A_81 = tpu.memref_slice %arg3[%squeeze3A_73, %dma_start3A_80] : memref<1000000x32xf32, #tpu.memory_space<hbm>> -> memref<1x32xf32, #tpu.memory_space<hbm>>
      %dma_start3A_82 = arith.constant 0 : i32
      %dma_start3A_83 = tpu.memref_slice %arg7[%add3A_77, %dma_start3A_82] : memref<256x32xf32, #tpu.memory_space<vmem>> -> memref<1x32xf32, #tpu.memory_space<vmem>>
      %dma_start3A_84 = arith.constant 0 : i32
      %dma_start3A_85 = tpu.memref_slice %arg3[%squeeze3A_73, %dma_start3A_84] : memref<1000000x32xf32, #tpu.memory_space<hbm>> -> memref<1x32xf32, #tpu.memory_space<hbm>>
      tpu.enqueue_dma source(%dma_start3A_85 : memref<1x32xf32, #tpu.memory_space<hbm>>) target(%dma_start3A_83 : memref<1x32xf32, #tpu.memory_space<vmem>>) target_semaphore(%arg9 : memref<!tpu.dma_semaphore, #tpu.memory_space<semaphore_mem>>)
      %dma_start3A_86 = arith.constant 0 : i32
      %dma_start3A_87 = tpu.memref_slice %arg8[%add3A_77, %dma_start3A_86] : memref<256x32xf32, #tpu.memory_space<vmem>> -> memref<1x32xf32, #tpu.memory_space<vmem>>
      %dma_start3A_88 = arith.constant 0 : i32
      %dma_start3A_89 = tpu.memref_slice %arg4[%squeeze3A_73, %dma_start3A_88] : memref<1000000x32xf32, #tpu.memory_space<hbm>> -> memref<1x32xf32, #tpu.memory_space<hbm>>
      %dma_start3A_90 = arith.constant 0 : i32
      %dma_start3A_91 = tpu.memref_slice %arg8[%add3A_77, %dma_start3A_90] : memref<256x32xf32, #tpu.memory_space<vmem>> -> memref<1x32xf32, #tpu.memory_space<vmem>>
      %dma_start3A_92 = arith.constant 0 : i32
      %dma_start3A_93 = tpu.memref_slice %arg4[%squeeze3A_73, %dma_start3A_92] : memref<1000000x32xf32, #tpu.memory_space<hbm>> -> memref<1x32xf32, #tpu.memory_space<hbm>>
      tpu.enqueue_dma source(%dma_start3A_93 : memref<1x32xf32, #tpu.memory_space<hbm>>) target(%dma_start3A_91 : memref<1x32xf32, #tpu.memory_space<vmem>>) target_semaphore(%arg9 : memref<!tpu.dma_semaphore, #tpu.memory_space<semaphore_mem>>)
      %slice3A_94 = vector.extract_strided_slice %get3A_52 {offsets = [2], sizes = [1], strides = [1]} : vector<16xi32> to vector<1xi32>
      %squeeze3A_95 = vector.extract %slice3A_94[0] : i32 from vector<1xi32>
      %mul3A_96 = arith.constant 16 : i32
      %mul3A_97 = arith.muli %scan3A_46, %mul3A_96 : i32
      %add3A_98 = arith.constant 2 : i32
      %add3A_99 = arith.addi %mul3A_97, %add3A_98 : i32
      %dma_start3A_100 = arith.constant 0 : i32
      %dma_start3A_101 = tpu.memref_slice %arg7[%add3A_99, %dma_start3A_100] : memref<256x32xf32, #tpu.memory_space<vmem>> -> memref<1x32xf32, #tpu.memory_space<vmem>>
      %dma_start3A_102 = arith.constant 0 : i32
      %dma_start3A_103 = tpu.memref_slice %arg3[%squeeze3A_95, %dma_start3A_102] : memref<1000000x32xf32, #tpu.memory_space<hbm>> -> memref<1x32xf32, #tpu.memory_space<hbm>>
      %dma_start3A_104 = arith.constant 0 : i32
      %dma_start3A_105 = tpu.memref_slice %arg7[%add3A_99, %dma_start3A_104] : memref<256x32xf32, #tpu.memory_space<vmem>> -> memref<1x32xf32, #tpu.memory_space<vmem>>
      %dma_start3A_106 = arith.constant 0 : i32
      %dma_start3A_107 = tpu.memref_slice %arg3[%squeeze3A_95, %dma_start3A_106] : memref<1000000x32xf32, #tpu.memory_space<hbm>> -> memref<1x32xf32, #tpu.memory_space<hbm>>
      tpu.enqueue_dma source(%dma_start3A_107 : memref<1x32xf32, #tpu.memory_space<hbm>>) target(%dma_start3A_105 : memref<1x32xf32, #tpu.memory_space<vmem>>) target_semaphore(%arg9 : memref<!tpu.dma_semaphore, #tpu.memory_space<semaphore_mem>>)
      %dma_start3A_108 = arith.constant 0 : i32
      %dma_start3A_109 = tpu.memref_slice %arg8[%add3A_99, %dma_start3A_108] : memref<256x32xf32, #tpu.memory_space<vmem>> -> memref<1x32xf32, #tpu.memory_space<vmem>>
      %dma_start3A_110 = arith.constant 0 : i32
      %dma_start3A_111 = tpu.memref_slice %arg4[%squeeze3A_95, %dma_start3A_110] : memref<1000000x32xf32, #tpu.memory_space<hbm>> -> memref<1x32xf32, #tpu.memory_space<hbm>>
      %dma_start3A_112 = arith.constant 0 : i32
      %dma_start3A_113 = tpu.memref_slice %arg8[%add3A_99, %dma_start3A_112] : memref<256x32xf32, #tpu.memory_space<vmem>> -> memref<1x32xf32, #tpu.memory_space<vmem>>
      %dma_start3A_114 = arith.constant 0 : i32
      %dma_start3A_115 = tpu.memref_slice %arg4[%squeeze3A_95, %dma_start3A_114] : memref<1000000x32xf32, #tpu.memory_space<hbm>> -> memref<1x32xf32, #tpu.memory_space<hbm>>
      tpu.enqueue_dma source(%dma_start3A_115 : memref<1x32xf32, #tpu.memory_space<hbm>>) target(%dma_start3A_113 : memref<1x32xf32, #tpu.memory_space<vmem>>) target_semaphore(%arg9 : memref<!tpu.dma_semaphore, #tpu.memory_space<semaphore_mem>>)
      %slice3A_116 = vector.extract_strided_slice %get3A_52 {offsets = [3], sizes = [1], strides = [1]} : vector<16xi32> to vector<1xi32>
      %squeeze3A_117 = vector.extract %slice3A_116[0] : i32 from vector<1xi32>
      %mul3A_118 = arith.constant 16 : i32
      %mul3A_119 = arith.muli %scan3A_46, %mul3A_118 : i32
      %add3A_120 = arith.constant 3 : i32
      %add3A_121 = arith.addi %mul3A_119, %add3A_120 : i32
      %dma_start3A_122 = arith.constant 0 : i32
      %dma_start3A_123 = tpu.memref_slice %arg7[%add3A_121, %dma_start3A_122] : memref<256x32xf32, #tpu.memory_space<vmem>> -> memref<1x32xf32, #tpu.memory_space<vmem>>
      %dma_start3A_124 = arith.constant 0 : i32
      %dma_start3A_125 = tpu.memref_slice %arg3[%squeeze3A_117, %dma_start3A_124] : memref<1000000x32xf32, #tpu.memory_space<hbm>> -> memref<1x32xf32, #tpu.memory_space<hbm>>
      %dma_start3A_126 = arith.constant 0 : i32
      %dma_start3A_127 = tpu.memref_slice %arg7[%add3A_121, %dma_start3A_126] : memref<256x32xf32, #tpu.memory_space<vmem>> -> memref<1x32xf32, #tpu.memory_space<vmem>>
      %dma_start3A_128 = arith.constant 0 : i32
      %dma_start3A_129 = tpu.memref_slice %arg3[%squeeze3A_117, %dma_start3A_128] : memref<1000000x32xf32, #tpu.memory_space<hbm>> -> memref<1x32xf32, #tpu.memory_space<hbm>>
      tpu.enqueue_dma source(%dma_start3A_129 : memref<1x32xf32, #tpu.memory_space<hbm>>) target(%dma_start3A_127 : memref<1x32xf32, #tpu.memory_space<vmem>>) target_semaphore(%arg9 : memref<!tpu.dma_semaphore, #tpu.memory_space<semaphore_mem>>)
      %dma_start3A_130 = arith.constant 0 : i32
      %dma_start3A_131 = tpu.memref_slice %arg8[%add3A_121, %dma_start3A_130] : memref<256x32xf32, #tpu.memory_space<vmem>> -> memref<1x32xf32, #tpu.memory_space<vmem>>
      %dma_start3A_132 = arith.constant 0 : i32
      %dma_start3A_133 = tpu.memref_slice %arg4[%squeeze3A_117, %dma_start3A_132] : memref<1000000x32xf32, #tpu.memory_space<hbm>> -> memref<1x32xf32, #tpu.memory_space<hbm>>
      %dma_start3A_134 = arith.constant 0 : i32
      %dma_start3A_135 = tpu.memref_slice %arg8[%add3A_121, %dma_start3A_134] : memref<256x32xf32, #tpu.memory_space<vmem>> -> memref<1x32xf32, #tpu.memory_space<vmem>>
      %dma_start3A_136 = arith.constant 0 : i32
      %dma_start3A_137 = tpu.memref_slice %arg4[%squeeze3A_117, %dma_start3A_136] : memref<1000000x32xf32, #tpu.memory_space<hbm>> -> memref<1x32xf32, #tpu.memory_space<hbm>>
      tpu.enqueue_dma source(%dma_start3A_137 : memref<1x32xf32, #tpu.memory_space<hbm>>) target(%dma_start3A_135 : memref<1x32xf32, #tpu.memory_space<vmem>>) target_semaphore(%arg9 : memref<!tpu.dma_semaphore, #tpu.memory_space<semaphore_mem>>)
      %slice3A_138 = vector.extract_strided_slice %get3A_52 {offsets = [4], sizes = [1], strides = [1]} : vector<16xi32> to vector<1xi32>
      %squeeze3A_139 = vector.extract %slice3A_138[0] : i32 from vector<1xi32>
      %mul3A_140 = arith.constant 16 : i32
      %mul3A_141 = arith.muli %scan3A_46, %mul3A_140 : i32
      %add3A_142 = arith.constant 4 : i32
      %add3A_143 = arith.addi %mul3A_141, %add3A_142 : i32
      %dma_start3A_144 = arith.constant 0 : i32
      %dma_start3A_145 = tpu.memref_slice %arg7[%add3A_143, %dma_start3A_144] : memref<256x32xf32, #tpu.memory_space<vmem>> -> memref<1x32xf32, #tpu.memory_space<vmem>>
      %dma_start3A_146 = arith.constant 0 : i32
      %dma_start3A_147 = tpu.memref_slice %arg3[%squeeze3A_139, %dma_start3A_146] : memref<1000000x32xf32, #tpu.memory_space<hbm>> -> memref<1x32xf32, #tpu.memory_space<hbm>>
      %dma_start3A_148 = arith.constant 0 : i32
      %dma_start3A_149 = tpu.memref_slice %arg7[%add3A_143, %dma_start3A_148] : memref<256x32xf32, #tpu.memory_space<vmem>> -> memref<1x32xf32, #tpu.memory_space<vmem>>
      %dma_start3A_150 = arith.constant 0 : i32
      %dma_start3A_151 = tpu.memref_slice %arg3[%squeeze3A_139, %dma_start3A_150] : memref<1000000x32xf32, #tpu.memory_space<hbm>> -> memref<1x32xf32, #tpu.memory_space<hbm>>
      tpu.enqueue_dma source(%dma_start3A_151 : memref<1x32xf32, #tpu.memory_space<hbm>>) target(%dma_start3A_149 : memref<1x32xf32, #tpu.memory_space<vmem>>) target_semaphore(%arg9 : memref<!tpu.dma_semaphore, #tpu.memory_space<semaphore_mem>>)
      %dma_start3A_152 = arith.constant 0 : i32
      %dma_start3A_153 = tpu.memref_slice %arg8[%add3A_143, %dma_start3A_152] : memref<256x32xf32, #tpu.memory_space<vmem>> -> memref<1x32xf32, #tpu.memory_space<vmem>>
      %dma_start3A_154 = arith.constant 0 : i32
      %dma_start3A_155 = tpu.memref_slice %arg4[%squeeze3A_139, %dma_start3A_154] : memref<1000000x32xf32, #tpu.memory_space<hbm>> -> memref<1x32xf32, #tpu.memory_space<hbm>>
      %dma_start3A_156 = arith.constant 0 : i32
      %dma_start3A_157 = tpu.memref_slice %arg8[%add3A_143, %dma_start3A_156] : memref<256x32xf32, #tpu.memory_space<vmem>> -> memref<1x32xf32, #tpu.memory_space<vmem>>
      %dma_start3A_158 = arith.constant 0 : i32
      %dma_start3A_159 = tpu.memref_slice %arg4[%squeeze3A_139, %dma_start3A_158] : memref<1000000x32xf32, #tpu.memory_space<hbm>> -> memref<1x32xf32, #tpu.memory_space<hbm>>
      tpu.enqueue_dma source(%dma_start3A_159 : memref<1x32xf32, #tpu.memory_space<hbm>>) target(%dma_start3A_157 : memref<1x32xf32, #tpu.memory_space<vmem>>) target_semaphore(%arg9 : memref<!tpu.dma_semaphore, #tpu.memory_space<semaphore_mem>>)
      %slice3A_160 = vector.extract_strided_slice %get3A_52 {offsets = [5], sizes = [1], strides = [1]} : vector<16xi32> to vector<1xi32>
      %squeeze3A_161 = vector.extract %slice3A_160[0] : i32 from vector<1xi32>
      %mul3A_162 = arith.constant 16 : i32
      %mul3A_163 = arith.muli %scan3A_46, %mul3A_162 : i32
      %add3A_164 = arith.constant 5 : i32
      %add3A_165 = arith.addi %mul3A_163, %add3A_164 : i32
      %dma_start3A_166 = arith.constant 0 : i32
      %dma_start3A_167 = tpu.memref_slice %arg7[%add3A_165, %dma_start3A_166] : memref<256x32xf32, #tpu.memory_space<vmem>> -> memref<1x32xf32, #tpu.memory_space<vmem>>
      %dma_start3A_168 = arith.constant 0 : i32
      %dma_start3A_169 = tpu.memref_slice %arg3[%squeeze3A_161, %dma_start3A_168] : memref<1000000x32xf32, #tpu.memory_space<hbm>> -> memref<1x32xf32, #tpu.memory_space<hbm>>
      %dma_start3A_170 = arith.constant 0 : i32
      %dma_start3A_171 = tpu.memref_slice %arg7[%add3A_165, %dma_start3A_170] : memref<256x32xf32, #tpu.memory_space<vmem>> -> memref<1x32xf32, #tpu.memory_space<vmem>>
      %dma_start3A_172 = arith.constant 0 : i32
      %dma_start3A_173 = tpu.memref_slice %arg3[%squeeze3A_161, %dma_start3A_172] : memref<1000000x32xf32, #tpu.memory_space<hbm>> -> memref<1x32xf32, #tpu.memory_space<hbm>>
      tpu.enqueue_dma source(%dma_start3A_173 : memref<1x32xf32, #tpu.memory_space<hbm>>) target(%dma_start3A_171 : memref<1x32xf32, #tpu.memory_space<vmem>>) target_semaphore(%arg9 : memref<!tpu.dma_semaphore, #tpu.memory_space<semaphore_mem>>)
      %dma_start3A_174 = arith.constant 0 : i32
      %dma_start3A_175 = tpu.memref_slice %arg8[%add3A_165, %dma_start3A_174] : memref<256x32xf32, #tpu.memory_space<vmem>> -> memref<1x32xf32, #tpu.memory_space<vmem>>
      %dma_start3A_176 = arith.constant 0 : i32
      %dma_start3A_177 = tpu.memref_slice %arg4[%squeeze3A_161, %dma_start3A_176] : memref<1000000x32xf32, #tpu.memory_space<hbm>> -> memref<1x32xf32, #tpu.memory_space<hbm>>
      %dma_start3A_178 = arith.constant 0 : i32
      %dma_start3A_179 = tpu.memref_slice %arg8[%add3A_165, %dma_start3A_178] : memref<256x32xf32, #tpu.memory_space<vmem>> -> memref<1x32xf32, #tpu.memory_space<vmem>>
      %dma_start3A_180 = arith.constant 0 : i32
      %dma_start3A_181 = tpu.memref_slice %arg4[%squeeze3A_161, %dma_start3A_180] : memref<1000000x32xf32, #tpu.memory_space<hbm>> -> memref<1x32xf32, #tpu.memory_space<hbm>>
      tpu.enqueue_dma source(%dma_start3A_181 : memref<1x32xf32, #tpu.memory_space<hbm>>) target(%dma_start3A_179 : memref<1x32xf32, #tpu.memory_space<vmem>>) target_semaphore(%arg9 : memref<!tpu.dma_semaphore, #tpu.memory_space<semaphore_mem>>)
      %slice3A_182 = vector.extract_strided_slice %get3A_52 {offsets = [6], sizes = [1], strides = [1]} : vector<16xi32> to vector<1xi32>
      %squeeze3A_183 = vector.extract %slice3A_182[0] : i32 from vector<1xi32>
      %mul3A_184 = arith.constant 16 : i32
      %mul3A_185 = arith.muli %scan3A_46, %mul3A_184 : i32
      %add3A_186 = arith.constant 6 : i32
      %add3A_187 = arith.addi %mul3A_185, %add3A_186 : i32
      %dma_start3A_188 = arith.constant 0 : i32
      %dma_start3A_189 = tpu.memref_slice %arg7[%add3A_187, %dma_start3A_188] : memref<256x32xf32, #tpu.memory_space<vmem>> -> memref<1x32xf32, #tpu.memory_space<vmem>>
      %dma_start3A_190 = arith.constant 0 : i32
      %dma_start3A_191 = tpu.memref_slice %arg3[%squeeze3A_183, %dma_start3A_190] : memref<1000000x32xf32, #tpu.memory_space<hbm>> -> memref<1x32xf32, #tpu.memory_space<hbm>>
      %dma_start3A_192 = arith.constant 0 : i32
      %dma_start3A_193 = tpu.memref_slice %arg7[%add3A_187, %dma_start3A_192] : memref<256x32xf32, #tpu.memory_space<vmem>> -> memref<1x32xf32, #tpu.memory_space<vmem>>
      %dma_start3A_194 = arith.constant 0 : i32
      %dma_start3A_195 = tpu.memref_slice %arg3[%squeeze3A_183, %dma_start3A_194] : memref<1000000x32xf32, #tpu.memory_space<hbm>> -> memref<1x32xf32, #tpu.memory_space<hbm>>
      tpu.enqueue_dma source(%dma_start3A_195 : memref<1x32xf32, #tpu.memory_space<hbm>>) target(%dma_start3A_193 : memref<1x32xf32, #tpu.memory_space<vmem>>) target_semaphore(%arg9 : memref<!tpu.dma_semaphore, #tpu.memory_space<semaphore_mem>>)
      %dma_start3A_196 = arith.constant 0 : i32
      %dma_start3A_197 = tpu.memref_slice %arg8[%add3A_187, %dma_start3A_196] : memref<256x32xf32, #tpu.memory_space<vmem>> -> memref<1x32xf32, #tpu.memory_space<vmem>>
      %dma_start3A_198 = arith.constant 0 : i32
      %dma_start3A_199 = tpu.memref_slice %arg4[%squeeze3A_183, %dma_start3A_198] : memref<1000000x32xf32, #tpu.memory_space<hbm>> -> memref<1x32xf32, #tpu.memory_space<hbm>>
      %dma_start3A_200 = arith.constant 0 : i32
      %dma_start3A_201 = tpu.memref_slice %arg8[%add3A_187, %dma_start3A_200] : memref<256x32xf32, #tpu.memory_space<vmem>> -> memref<1x32xf32, #tpu.memory_space<vmem>>
      %dma_start3A_202 = arith.constant 0 : i32
      %dma_start3A_203 = tpu.memref_slice %arg4[%squeeze3A_183, %dma_start3A_202] : memref<1000000x32xf32, #tpu.memory_space<hbm>> -> memref<1x32xf32, #tpu.memory_space<hbm>>
      tpu.enqueue_dma source(%dma_start3A_203 : memref<1x32xf32, #tpu.memory_space<hbm>>) target(%dma_start3A_201 : memref<1x32xf32, #tpu.memory_space<vmem>>) target_semaphore(%arg9 : memref<!tpu.dma_semaphore, #tpu.memory_space<semaphore_mem>>)
      %slice3A_204 = vector.extract_strided_slice %get3A_52 {offsets = [7], sizes = [1], strides = [1]} : vector<16xi32> to vector<1xi32>
      %squeeze3A_205 = vector.extract %slice3A_204[0] : i32 from vector<1xi32>
      %mul3A_206 = arith.constant 16 : i32
      %mul3A_207 = arith.muli %scan3A_46, %mul3A_206 : i32
      %add3A_208 = arith.constant 7 : i32
      %add3A_209 = arith.addi %mul3A_207, %add3A_208 : i32
      %dma_start3A_210 = arith.constant 0 : i32
      %dma_start3A_211 = tpu.memref_slice %arg7[%add3A_209, %dma_start3A_210] : memref<256x32xf32, #tpu.memory_space<vmem>> -> memref<1x32xf32, #tpu.memory_space<vmem>>
      %dma_start3A_212 = arith.constant 0 : i32
      %dma_start3A_213 = tpu.memref_slice %arg3[%squeeze3A_205, %dma_start3A_212] : memref<1000000x32xf32, #tpu.memory_space<hbm>> -> memref<1x32xf32, #tpu.memory_space<hbm>>
      %dma_start3A_214 = arith.constant 0 : i32
      %dma_start3A_215 = tpu.memref_slice %arg7[%add3A_209, %dma_start3A_214] : memref<256x32xf32, #tpu.memory_space<vmem>> -> memref<1x32xf32, #tpu.memory_space<vmem>>
      %dma_start3A_216 = arith.constant 0 : i32
      %dma_start3A_217 = tpu.memref_slice %arg3[%squeeze3A_205, %dma_start3A_216] : memref<1000000x32xf32, #tpu.memory_space<hbm>> -> memref<1x32xf32, #tpu.memory_space<hbm>>
      tpu.enqueue_dma source(%dma_start3A_217 : memref<1x32xf32, #tpu.memory_space<hbm>>) target(%dma_start3A_215 : memref<1x32xf32, #tpu.memory_space<vmem>>) target_semaphore(%arg9 : memref<!tpu.dma_semaphore, #tpu.memory_space<semaphore_mem>>)
      %dma_start3A_218 = arith.constant 0 : i32
      %dma_start3A_219 = tpu.memref_slice %arg8[%add3A_209, %dma_start3A_218] : memref<256x32xf32, #tpu.memory_space<vmem>> -> memref<1x32xf32, #tpu.memory_space<vmem>>
      %dma_start3A_220 = arith.constant 0 : i32
      %dma_start3A_221 = tpu.memref_slice %arg4[%squeeze3A_205, %dma_start3A_220] : memref<1000000x32xf32, #tpu.memory_space<hbm>> -> memref<1x32xf32, #tpu.memory_space<hbm>>
      %dma_start3A_222 = arith.constant 0 : i32
      %dma_start3A_223 = tpu.memref_slice %arg8[%add3A_209, %dma_start3A_222] : memref<256x32xf32, #tpu.memory_space<vmem>> -> memref<1x32xf32, #tpu.memory_space<vmem>>
      %dma_start3A_224 = arith.constant 0 : i32
      %dma_start3A_225 = tpu.memref_slice %arg4[%squeeze3A_205, %dma_start3A_224] : memref<1000000x32xf32, #tpu.memory_space<hbm>> -> memref<1x32xf32, #tpu.memory_space<hbm>>
      tpu.enqueue_dma source(%dma_start3A_225 : memref<1x32xf32, #tpu.memory_space<hbm>>) target(%dma_start3A_223 : memref<1x32xf32, #tpu.memory_space<vmem>>) target_semaphore(%arg9 : memref<!tpu.dma_semaphore, #tpu.memory_space<semaphore_mem>>)
      %slice3A_226 = vector.extract_strided_slice %get3A_52 {offsets = [8], sizes = [1], strides = [1]} : vector<16xi32> to vector<1xi32>
      %squeeze3A_227 = vector.extract %slice3A_226[0] : i32 from vector<1xi32>
      %mul3A_228 = arith.constant 16 : i32
      %mul3A_229 = arith.muli %scan3A_46, %mul3A_228 : i32
      %add3A_230 = arith.constant 8 : i32
      %add3A_231 = arith.addi %mul3A_229, %add3A_230 : i32
      %dma_start3A_232 = arith.constant 0 : i32
      %dma_start3A_233 = tpu.memref_slice %arg7[%add3A_231, %dma_start3A_232] : memref<256x32xf32, #tpu.memory_space<vmem>> -> memref<1x32xf32, #tpu.memory_space<vmem>>
      %dma_start3A_234 = arith.constant 0 : i32
      %dma_start3A_235 = tpu.memref_slice %arg3[%squeeze3A_227, %dma_start3A_234] : memref<1000000x32xf32, #tpu.memory_space<hbm>> -> memref<1x32xf32, #tpu.memory_space<hbm>>
      %dma_start3A_236 = arith.constant 0 : i32
      %dma_start3A_237 = tpu.memref_slice %arg7[%add3A_231, %dma_start3A_236] : memref<256x32xf32, #tpu.memory_space<vmem>> -> memref<1x32xf32, #tpu.memory_space<vmem>>
      %dma_start3A_238 = arith.constant 0 : i32
      %dma_start3A_239 = tpu.memref_slice %arg3[%squeeze3A_227, %dma_start3A_238] : memref<1000000x32xf32, #tpu.memory_space<hbm>> -> memref<1x32xf32, #tpu.memory_space<hbm>>
      tpu.enqueue_dma source(%dma_start3A_239 : memref<1x32xf32, #tpu.memory_space<hbm>>) target(%dma_start3A_237 : memref<1x32xf32, #tpu.memory_space<vmem>>) target_semaphore(%arg9 : memref<!tpu.dma_semaphore, #tpu.memory_space<semaphore_mem>>)
      %dma_start3A_240 = arith.constant 0 : i32
      %dma_start3A_241 = tpu.memref_slice %arg8[%add3A_231, %dma_start3A_240] : memref<256x32xf32, #tpu.memory_space<vmem>> -> memref<1x32xf32, #tpu.memory_space<vmem>>
      %dma_start3A_242 = arith.constant 0 : i32
      %dma_start3A_243 = tpu.memref_slice %arg4[%squeeze3A_227, %dma_start3A_242] : memref<1000000x32xf32, #tpu.memory_space<hbm>> -> memref<1x32xf32, #tpu.memory_space<hbm>>
      %dma_start3A_244 = arith.constant 0 : i32
      %dma_start3A_245 = tpu.memref_slice %arg8[%add3A_231, %dma_start3A_244] : memref<256x32xf32, #tpu.memory_space<vmem>> -> memref<1x32xf32, #tpu.memory_space<vmem>>
      %dma_start3A_246 = arith.constant 0 : i32
      %dma_start3A_247 = tpu.memref_slice %arg4[%squeeze3A_227, %dma_start3A_246] : memref<1000000x32xf32, #tpu.memory_space<hbm>> -> memref<1x32xf32, #tpu.memory_space<hbm>>
      tpu.enqueue_dma source(%dma_start3A_247 : memref<1x32xf32, #tpu.memory_space<hbm>>) target(%dma_start3A_245 : memref<1x32xf32, #tpu.memory_space<vmem>>) target_semaphore(%arg9 : memref<!tpu.dma_semaphore, #tpu.memory_space<semaphore_mem>>)
      %slice3A_248 = vector.extract_strided_slice %get3A_52 {offsets = [9], sizes = [1], strides = [1]} : vector<16xi32> to vector<1xi32>
      %squeeze3A_249 = vector.extract %slice3A_248[0] : i32 from vector<1xi32>
      %mul3A_250 = arith.constant 16 : i32
      %mul3A_251 = arith.muli %scan3A_46, %mul3A_250 : i32
      %add3A_252 = arith.constant 9 : i32
      %add3A_253 = arith.addi %mul3A_251, %add3A_252 : i32
      %dma_start3A_254 = arith.constant 0 : i32
      %dma_start3A_255 = tpu.memref_slice %arg7[%add3A_253, %dma_start3A_254] : memref<256x32xf32, #tpu.memory_space<vmem>> -> memref<1x32xf32, #tpu.memory_space<vmem>>
      %dma_start3A_256 = arith.constant 0 : i32
      %dma_start3A_257 = tpu.memref_slice %arg3[%squeeze3A_249, %dma_start3A_256] : memref<1000000x32xf32, #tpu.memory_space<hbm>> -> memref<1x32xf32, #tpu.memory_space<hbm>>
      %dma_start3A_258 = arith.constant 0 : i32
      %dma_start3A_259 = tpu.memref_slice %arg7[%add3A_253, %dma_start3A_258] : memref<256x32xf32, #tpu.memory_space<vmem>> -> memref<1x32xf32, #tpu.memory_space<vmem>>
      %dma_start3A_260 = arith.constant 0 : i32
      %dma_start3A_261 = tpu.memref_slice %arg3[%squeeze3A_249, %dma_start3A_260] : memref<1000000x32xf32, #tpu.memory_space<hbm>> -> memref<1x32xf32, #tpu.memory_space<hbm>>
      tpu.enqueue_dma source(%dma_start3A_261 : memref<1x32xf32, #tpu.memory_space<hbm>>) target(%dma_start3A_259 : memref<1x32xf32, #tpu.memory_space<vmem>>) target_semaphore(%arg9 : memref<!tpu.dma_semaphore, #tpu.memory_space<semaphore_mem>>)
      %dma_start3A_262 = arith.constant 0 : i32
      %dma_start3A_263 = tpu.memref_slice %arg8[%add3A_253, %dma_start3A_262] : memref<256x32xf32, #tpu.memory_space<vmem>> -> memref<1x32xf32, #tpu.memory_space<vmem>>
      %dma_start3A_264 = arith.constant 0 : i32
      %dma_start3A_265 = tpu.memref_slice %arg4[%squeeze3A_249, %dma_start3A_264] : memref<1000000x32xf32, #tpu.memory_space<hbm>> -> memref<1x32xf32, #tpu.memory_space<hbm>>
      %dma_start3A_266 = arith.constant 0 : i32
      %dma_start3A_267 = tpu.memref_slice %arg8[%add3A_253, %dma_start3A_266] : memref<256x32xf32, #tpu.memory_space<vmem>> -> memref<1x32xf32, #tpu.memory_space<vmem>>
      %dma_start3A_268 = arith.constant 0 : i32
      %dma_start3A_269 = tpu.memref_slice %arg4[%squeeze3A_249, %dma_start3A_268] : memref<1000000x32xf32, #tpu.memory_space<hbm>> -> memref<1x32xf32, #tpu.memory_space<hbm>>
      tpu.enqueue_dma source(%dma_start3A_269 : memref<1x32xf32, #tpu.memory_space<hbm>>) target(%dma_start3A_267 : memref<1x32xf32, #tpu.memory_space<vmem>>) target_semaphore(%arg9 : memref<!tpu.dma_semaphore, #tpu.memory_space<semaphore_mem>>)
      %slice3A_270 = vector.extract_strided_slice %get3A_52 {offsets = [10], sizes = [1], strides = [1]} : vector<16xi32> to vector<1xi32>
      %squeeze3A_271 = vector.extract %slice3A_270[0] : i32 from vector<1xi32>
      %mul3A_272 = arith.constant 16 : i32
      %mul3A_273 = arith.muli %scan3A_46, %mul3A_272 : i32
      %add3A_274 = arith.constant 10 : i32
      %add3A_275 = arith.addi %mul3A_273, %add3A_274 : i32
      %dma_start3A_276 = arith.constant 0 : i32
      %dma_start3A_277 = tpu.memref_slice %arg7[%add3A_275, %dma_start3A_276] : memref<256x32xf32, #tpu.memory_space<vmem>> -> memref<1x32xf32, #tpu.memory_space<vmem>>
      %dma_start3A_278 = arith.constant 0 : i32
      %dma_start3A_279 = tpu.memref_slice %arg3[%squeeze3A_271, %dma_start3A_278] : memref<1000000x32xf32, #tpu.memory_space<hbm>> -> memref<1x32xf32, #tpu.memory_space<hbm>>
      %dma_start3A_280 = arith.constant 0 : i32
      %dma_start3A_281 = tpu.memref_slice %arg7[%add3A_275, %dma_start3A_280] : memref<256x32xf32, #tpu.memory_space<vmem>> -> memref<1x32xf32, #tpu.memory_space<vmem>>
      %dma_start3A_282 = arith.constant 0 : i32
      %dma_start3A_283 = tpu.memref_slice %arg3[%squeeze3A_271, %dma_start3A_282] : memref<1000000x32xf32, #tpu.memory_space<hbm>> -> memref<1x32xf32, #tpu.memory_space<hbm>>
      tpu.enqueue_dma source(%dma_start3A_283 : memref<1x32xf32, #tpu.memory_space<hbm>>) target(%dma_start3A_281 : memref<1x32xf32, #tpu.memory_space<vmem>>) target_semaphore(%arg9 : memref<!tpu.dma_semaphore, #tpu.memory_space<semaphore_mem>>)
      %dma_start3A_284 = arith.constant 0 : i32
      %dma_start3A_285 = tpu.memref_slice %arg8[%add3A_275, %dma_start3A_284] : memref<256x32xf32, #tpu.memory_space<vmem>> -> memref<1x32xf32, #tpu.memory_space<vmem>>
      %dma_start3A_286 = arith.constant 0 : i32
      %dma_start3A_287 = tpu.memref_slice %arg4[%squeeze3A_271, %dma_start3A_286] : memref<1000000x32xf32, #tpu.memory_space<hbm>> -> memref<1x32xf32, #tpu.memory_space<hbm>>
      %dma_start3A_288 = arith.constant 0 : i32
      %dma_start3A_289 = tpu.memref_slice %arg8[%add3A_275, %dma_start3A_288] : memref<256x32xf32, #tpu.memory_space<vmem>> -> memref<1x32xf32, #tpu.memory_space<vmem>>
      %dma_start3A_290 = arith.constant 0 : i32
      %dma_start3A_291 = tpu.memref_slice %arg4[%squeeze3A_271, %dma_start3A_290] : memref<1000000x32xf32, #tpu.memory_space<hbm>> -> memref<1x32xf32, #tpu.memory_space<hbm>>
      tpu.enqueue_dma source(%dma_start3A_291 : memref<1x32xf32, #tpu.memory_space<hbm>>) target(%dma_start3A_289 : memref<1x32xf32, #tpu.memory_space<vmem>>) target_semaphore(%arg9 : memref<!tpu.dma_semaphore, #tpu.memory_space<semaphore_mem>>)
      %slice3A_292 = vector.extract_strided_slice %get3A_52 {offsets = [11], sizes = [1], strides = [1]} : vector<16xi32> to vector<1xi32>
      %squeeze3A_293 = vector.extract %slice3A_292[0] : i32 from vector<1xi32>
      %mul3A_294 = arith.constant 16 : i32
      %mul3A_295 = arith.muli %scan3A_46, %mul3A_294 : i32
      %add3A_296 = arith.constant 11 : i32
      %add3A_297 = arith.addi %mul3A_295, %add3A_296 : i32
      %dma_start3A_298 = arith.constant 0 : i32
      %dma_start3A_299 = tpu.memref_slice %arg7[%add3A_297, %dma_start3A_298] : memref<256x32xf32, #tpu.memory_space<vmem>> -> memref<1x32xf32, #tpu.memory_space<vmem>>
      %dma_start3A_300 = arith.constant 0 : i32
      %dma_start3A_301 = tpu.memref_slice %arg3[%squeeze3A_293, %dma_start3A_300] : memref<1000000x32xf32, #tpu.memory_space<hbm>> -> memref<1x32xf32, #tpu.memory_space<hbm>>
      %dma_start3A_302 = arith.constant 0 : i32
      %dma_start3A_303 = tpu.memref_slice %arg7[%add3A_297, %dma_start3A_302] : memref<256x32xf32, #tpu.memory_space<vmem>> -> memref<1x32xf32, #tpu.memory_space<vmem>>
      %dma_start3A_304 = arith.constant 0 : i32
      %dma_start3A_305 = tpu.memref_slice %arg3[%squeeze3A_293, %dma_start3A_304] : memref<1000000x32xf32, #tpu.memory_space<hbm>> -> memref<1x32xf32, #tpu.memory_space<hbm>>
      tpu.enqueue_dma source(%dma_start3A_305 : memref<1x32xf32, #tpu.memory_space<hbm>>) target(%dma_start3A_303 : memref<1x32xf32, #tpu.memory_space<vmem>>) target_semaphore(%arg9 : memref<!tpu.dma_semaphore, #tpu.memory_space<semaphore_mem>>)
      %dma_start3A_306 = arith.constant 0 : i32
      %dma_start3A_307 = tpu.memref_slice %arg8[%add3A_297, %dma_start3A_306] : memref<256x32xf32, #tpu.memory_space<vmem>> -> memref<1x32xf32, #tpu.memory_space<vmem>>
      %dma_start3A_308 = arith.constant 0 : i32
      %dma_start3A_309 = tpu.memref_slice %arg4[%squeeze3A_293, %dma_start3A_308] : memref<1000000x32xf32, #tpu.memory_space<hbm>> -> memref<1x32xf32, #tpu.memory_space<hbm>>
      %dma_start3A_310 = arith.constant 0 : i32
      %dma_start3A_311 = tpu.memref_slice %arg8[%add3A_297, %dma_start3A_310] : memref<256x32xf32, #tpu.memory_space<vmem>> -> memref<1x32xf32, #tpu.memory_space<vmem>>
      %dma_start3A_312 = arith.constant 0 : i32
      %dma_start3A_313 = tpu.memref_slice %arg4[%squeeze3A_293, %dma_start3A_312] : memref<1000000x32xf32, #tpu.memory_space<hbm>> -> memref<1x32xf32, #tpu.memory_space<hbm>>
      tpu.enqueue_dma source(%dma_start3A_313 : memref<1x32xf32, #tpu.memory_space<hbm>>) target(%dma_start3A_311 : memref<1x32xf32, #tpu.memory_space<vmem>>) target_semaphore(%arg9 : memref<!tpu.dma_semaphore, #tpu.memory_space<semaphore_mem>>)
      %slice3A_314 = vector.extract_strided_slice %get3A_52 {offsets = [12], sizes = [1], strides = [1]} : vector<16xi32> to vector<1xi32>
      %squeeze3A_315 = vector.extract %slice3A_314[0] : i32 from vector<1xi32>
      %mul3A_316 = arith.constant 16 : i32
      %mul3A_317 = arith.muli %scan3A_46, %mul3A_316 : i32
      %add3A_318 = arith.constant 12 : i32
      %add3A_319 = arith.addi %mul3A_317, %add3A_318 : i32
      %dma_start3A_320 = arith.constant 0 : i32
      %dma_start3A_321 = tpu.memref_slice %arg7[%add3A_319, %dma_start3A_320] : memref<256x32xf32, #tpu.memory_space<vmem>> -> memref<1x32xf32, #tpu.memory_space<vmem>>
      %dma_start3A_322 = arith.constant 0 : i32
      %dma_start3A_323 = tpu.memref_slice %arg3[%squeeze3A_315, %dma_start3A_322] : memref<1000000x32xf32, #tpu.memory_space<hbm>> -> memref<1x32xf32, #tpu.memory_space<hbm>>
      %dma_start3A_324 = arith.constant 0 : i32
      %dma_start3A_325 = tpu.memref_slice %arg7[%add3A_319, %dma_start3A_324] : memref<256x32xf32, #tpu.memory_space<vmem>> -> memref<1x32xf32, #tpu.memory_space<vmem>>
      %dma_start3A_326 = arith.constant 0 : i32
      %dma_start3A_327 = tpu.memref_slice %arg3[%squeeze3A_315, %dma_start3A_326] : memref<1000000x32xf32, #tpu.memory_space<hbm>> -> memref<1x32xf32, #tpu.memory_space<hbm>>
      tpu.enqueue_dma source(%dma_start3A_327 : memref<1x32xf32, #tpu.memory_space<hbm>>) target(%dma_start3A_325 : memref<1x32xf32, #tpu.memory_space<vmem>>) target_semaphore(%arg9 : memref<!tpu.dma_semaphore, #tpu.memory_space<semaphore_mem>>)
      %dma_start3A_328 = arith.constant 0 : i32
      %dma_start3A_329 = tpu.memref_slice %arg8[%add3A_319, %dma_start3A_328] : memref<256x32xf32, #tpu.memory_space<vmem>> -> memref<1x32xf32, #tpu.memory_space<vmem>>
      %dma_start3A_330 = arith.constant 0 : i32
      %dma_start3A_331 = tpu.memref_slice %arg4[%squeeze3A_315, %dma_start3A_330] : memref<1000000x32xf32, #tpu.memory_space<hbm>> -> memref<1x32xf32, #tpu.memory_space<hbm>>
      %dma_start3A_332 = arith.constant 0 : i32
      %dma_start3A_333 = tpu.memref_slice %arg8[%add3A_319, %dma_start3A_332] : memref<256x32xf32, #tpu.memory_space<vmem>> -> memref<1x32xf32, #tpu.memory_space<vmem>>
      %dma_start3A_334 = arith.constant 0 : i32
      %dma_start3A_335 = tpu.memref_slice %arg4[%squeeze3A_315, %dma_start3A_334] : memref<1000000x32xf32, #tpu.memory_space<hbm>> -> memref<1x32xf32, #tpu.memory_space<hbm>>
      tpu.enqueue_dma source(%dma_start3A_335 : memref<1x32xf32, #tpu.memory_space<hbm>>) target(%dma_start3A_333 : memref<1x32xf32, #tpu.memory_space<vmem>>) target_semaphore(%arg9 : memref<!tpu.dma_semaphore, #tpu.memory_space<semaphore_mem>>)
      %slice3A_336 = vector.extract_strided_slice %get3A_52 {offsets = [13], sizes = [1], strides = [1]} : vector<16xi32> to vector<1xi32>
      %squeeze3A_337 = vector.extract %slice3A_336[0] : i32 from vector<1xi32>
      %mul3A_338 = arith.constant 16 : i32
      %mul3A_339 = arith.muli %scan3A_46, %mul3A_338 : i32
      %add3A_340 = arith.constant 13 : i32
      %add3A_341 = arith.addi %mul3A_339, %add3A_340 : i32
      %dma_start3A_342 = arith.constant 0 : i32
      %dma_start3A_343 = tpu.memref_slice %arg7[%add3A_341, %dma_start3A_342] : memref<256x32xf32, #tpu.memory_space<vmem>> -> memref<1x32xf32, #tpu.memory_space<vmem>>
      %dma_start3A_344 = arith.constant 0 : i32
      %dma_start3A_345 = tpu.memref_slice %arg3[%squeeze3A_337, %dma_start3A_344] : memref<1000000x32xf32, #tpu.memory_space<hbm>> -> memref<1x32xf32, #tpu.memory_space<hbm>>
      %dma_start3A_346 = arith.constant 0 : i32
      %dma_start3A_347 = tpu.memref_slice %arg7[%add3A_341, %dma_start3A_346] : memref<256x32xf32, #tpu.memory_space<vmem>> -> memref<1x32xf32, #tpu.memory_space<vmem>>
      %dma_start3A_348 = arith.constant 0 : i32
      %dma_start3A_349 = tpu.memref_slice %arg3[%squeeze3A_337, %dma_start3A_348] : memref<1000000x32xf32, #tpu.memory_space<hbm>> -> memref<1x32xf32, #tpu.memory_space<hbm>>
      tpu.enqueue_dma source(%dma_start3A_349 : memref<1x32xf32, #tpu.memory_space<hbm>>) target(%dma_start3A_347 : memref<1x32xf32, #tpu.memory_space<vmem>>) target_semaphore(%arg9 : memref<!tpu.dma_semaphore, #tpu.memory_space<semaphore_mem>>)
      %dma_start3A_350 = arith.constant 0 : i32
      %dma_start3A_351 = tpu.memref_slice %arg8[%add3A_341, %dma_start3A_350] : memref<256x32xf32, #tpu.memory_space<vmem>> -> memref<1x32xf32, #tpu.memory_space<vmem>>
      %dma_start3A_352 = arith.constant 0 : i32
      %dma_start3A_353 = tpu.memref_slice %arg4[%squeeze3A_337, %dma_start3A_352] : memref<1000000x32xf32, #tpu.memory_space<hbm>> -> memref<1x32xf32, #tpu.memory_space<hbm>>
      %dma_start3A_354 = arith.constant 0 : i32
      %dma_start3A_355 = tpu.memref_slice %arg8[%add3A_341, %dma_start3A_354] : memref<256x32xf32, #tpu.memory_space<vmem>> -> memref<1x32xf32, #tpu.memory_space<vmem>>
      %dma_start3A_356 = arith.constant 0 : i32
      %dma_start3A_357 = tpu.memref_slice %arg4[%squeeze3A_337, %dma_start3A_356] : memref<1000000x32xf32, #tpu.memory_space<hbm>> -> memref<1x32xf32, #tpu.memory_space<hbm>>
      tpu.enqueue_dma source(%dma_start3A_357 : memref<1x32xf32, #tpu.memory_space<hbm>>) target(%dma_start3A_355 : memref<1x32xf32, #tpu.memory_space<vmem>>) target_semaphore(%arg9 : memref<!tpu.dma_semaphore, #tpu.memory_space<semaphore_mem>>)
      %slice3A_358 = vector.extract_strided_slice %get3A_52 {offsets = [14], sizes = [1], strides = [1]} : vector<16xi32> to vector<1xi32>
      %squeeze3A_359 = vector.extract %slice3A_358[0] : i32 from vector<1xi32>
      %mul3A_360 = arith.constant 16 : i32
      %mul3A_361 = arith.muli %scan3A_46, %mul3A_360 : i32
      %add3A_362 = arith.constant 14 : i32
      %add3A_363 = arith.addi %mul3A_361, %add3A_362 : i32
      %dma_start3A_364 = arith.constant 0 : i32
      %dma_start3A_365 = tpu.memref_slice %arg7[%add3A_363, %dma_start3A_364] : memref<256x32xf32, #tpu.memory_space<vmem>> -> memref<1x32xf32, #tpu.memory_space<vmem>>
      %dma_start3A_366 = arith.constant 0 : i32
      %dma_start3A_367 = tpu.memref_slice %arg3[%squeeze3A_359, %dma_start3A_366] : memref<1000000x32xf32, #tpu.memory_space<hbm>> -> memref<1x32xf32, #tpu.memory_space<hbm>>
      %dma_start3A_368 = arith.constant 0 : i32
      %dma_start3A_369 = tpu.memref_slice %arg7[%add3A_363, %dma_start3A_368] : memref<256x32xf32, #tpu.memory_space<vmem>> -> memref<1x32xf32, #tpu.memory_space<vmem>>
      %dma_start3A_370 = arith.constant 0 : i32
      %dma_start3A_371 = tpu.memref_slice %arg3[%squeeze3A_359, %dma_start3A_370] : memref<1000000x32xf32, #tpu.memory_space<hbm>> -> memref<1x32xf32, #tpu.memory_space<hbm>>
      tpu.enqueue_dma source(%dma_start3A_371 : memref<1x32xf32, #tpu.memory_space<hbm>>) target(%dma_start3A_369 : memref<1x32xf32, #tpu.memory_space<vmem>>) target_semaphore(%arg9 : memref<!tpu.dma_semaphore, #tpu.memory_space<semaphore_mem>>)
      %dma_start3A_372 = arith.constant 0 : i32
      %dma_start3A_373 = tpu.memref_slice %arg8[%add3A_363, %dma_start3A_372] : memref<256x32xf32, #tpu.memory_space<vmem>> -> memref<1x32xf32, #tpu.memory_space<vmem>>
      %dma_start3A_374 = arith.constant 0 : i32
      %dma_start3A_375 = tpu.memref_slice %arg4[%squeeze3A_359, %dma_start3A_374] : memref<1000000x32xf32, #tpu.memory_space<hbm>> -> memref<1x32xf32, #tpu.memory_space<hbm>>
      %dma_start3A_376 = arith.constant 0 : i32
      %dma_start3A_377 = tpu.memref_slice %arg8[%add3A_363, %dma_start3A_376] : memref<256x32xf32, #tpu.memory_space<vmem>> -> memref<1x32xf32, #tpu.memory_space<vmem>>
      %dma_start3A_378 = arith.constant 0 : i32
      %dma_start3A_379 = tpu.memref_slice %arg4[%squeeze3A_359, %dma_start3A_378] : memref<1000000x32xf32, #tpu.memory_space<hbm>> -> memref<1x32xf32, #tpu.memory_space<hbm>>
      tpu.enqueue_dma source(%dma_start3A_379 : memref<1x32xf32, #tpu.memory_space<hbm>>) target(%dma_start3A_377 : memref<1x32xf32, #tpu.memory_space<vmem>>) target_semaphore(%arg9 : memref<!tpu.dma_semaphore, #tpu.memory_space<semaphore_mem>>)
      %slice3A_380 = vector.extract_strided_slice %get3A_52 {offsets = [15], sizes = [1], strides = [1]} : vector<16xi32> to vector<1xi32>
      %squeeze3A_381 = vector.extract %slice3A_380[0] : i32 from vector<1xi32>
      %mul3A_382 = arith.constant 16 : i32
      %mul3A_383 = arith.muli %scan3A_46, %mul3A_382 : i32
      %add3A_384 = arith.constant 15 : i32
      %add3A_385 = arith.addi %mul3A_383, %add3A_384 : i32
      %dma_start3A_386 = arith.constant 0 : i32
      %dma_start3A_387 = tpu.memref_slice %arg7[%add3A_385, %dma_start3A_386] : memref<256x32xf32, #tpu.memory_space<vmem>> -> memref<1x32xf32, #tpu.memory_space<vmem>>
      %dma_start3A_388 = arith.constant 0 : i32
      %dma_start3A_389 = tpu.memref_slice %arg3[%squeeze3A_381, %dma_start3A_388] : memref<1000000x32xf32, #tpu.memory_space<hbm>> -> memref<1x32xf32, #tpu.memory_space<hbm>>
      %dma_start3A_390 = arith.constant 0 : i32
      %dma_start3A_391 = tpu.memref_slice %arg7[%add3A_385, %dma_start3A_390] : memref<256x32xf32, #tpu.memory_space<vmem>> -> memref<1x32xf32, #tpu.memory_space<vmem>>
      %dma_start3A_392 = arith.constant 0 : i32
      %dma_start3A_393 = tpu.memref_slice %arg3[%squeeze3A_381, %dma_start3A_392] : memref<1000000x32xf32, #tpu.memory_space<hbm>> -> memref<1x32xf32, #tpu.memory_space<hbm>>
      tpu.enqueue_dma source(%dma_start3A_393 : memref<1x32xf32, #tpu.memory_space<hbm>>) target(%dma_start3A_391 : memref<1x32xf32, #tpu.memory_space<vmem>>) target_semaphore(%arg9 : memref<!tpu.dma_semaphore, #tpu.memory_space<semaphore_mem>>)
      %dma_start3A_394 = arith.constant 0 : i32
      %dma_start3A_395 = tpu.memref_slice %arg8[%add3A_385, %dma_start3A_394] : memref<256x32xf32, #tpu.memory_space<vmem>> -> memref<1x32xf32, #tpu.memory_space<vmem>>
      %dma_start3A_396 = arith.constant 0 : i32
      %dma_start3A_397 = tpu.memref_slice %arg4[%squeeze3A_381, %dma_start3A_396] : memref<1000000x32xf32, #tpu.memory_space<hbm>> -> memref<1x32xf32, #tpu.memory_space<hbm>>
      %dma_start3A_398 = arith.constant 0 : i32
      %dma_start3A_399 = tpu.memref_slice %arg8[%add3A_385, %dma_start3A_398] : memref<256x32xf32, #tpu.memory_space<vmem>> -> memref<1x32xf32, #tpu.memory_space<vmem>>
      %dma_start3A_400 = arith.constant 0 : i32
      %dma_start3A_401 = tpu.memref_slice %arg4[%squeeze3A_381, %dma_start3A_400] : memref<1000000x32xf32, #tpu.memory_space<hbm>> -> memref<1x32xf32, #tpu.memory_space<hbm>>
      tpu.enqueue_dma source(%dma_start3A_401 : memref<1x32xf32, #tpu.memory_space<hbm>>) target(%dma_start3A_399 : memref<1x32xf32, #tpu.memory_space<vmem>>) target_semaphore(%arg9 : memref<!tpu.dma_semaphore, #tpu.memory_space<semaphore_mem>>)
    }
    %scan3A_27 = arith.constant 16 : i32
    %dma_wait3A_28 = arith.constant 0 : i32
    %dma_wait3A_29 = arith.constant 0 : i32
    %dma_wait3A_30 = tpu.memref_slice %arg3[%dma_wait3A_28, %dma_wait3A_29] : memref<1000000x32xf32, #tpu.memory_space<hbm>> -> memref<256x32xf32, #tpu.memory_space<hbm>>
    %dma_wait3A_31 = arith.constant 0 : i32
    %dma_wait3A_32 = arith.constant 0 : i32
    %dma_wait3A_33 = tpu.memref_slice %arg3[%dma_wait3A_31, %dma_wait3A_32] : memref<1000000x32xf32, #tpu.memory_space<hbm>> -> memref<256x32xf32, #tpu.memory_space<hbm>>
    tpu.wait_dma2 semaphore(%arg9 : memref<!tpu.dma_semaphore, #tpu.memory_space<semaphore_mem>>) src(%dma_wait3A_33 : memref<256x32xf32, #tpu.memory_space<hbm>>) dst(%arg7 : memref<256x32xf32, #tpu.memory_space<vmem>>)
    %dma_wait3A_34 = arith.constant 0 : i32
    %dma_wait3A_35 = arith.constant 0 : i32
    %dma_wait3A_36 = tpu.memref_slice %arg4[%dma_wait3A_34, %dma_wait3A_35] : memref<1000000x32xf32, #tpu.memory_space<hbm>> -> memref<256x32xf32, #tpu.memory_space<hbm>>
    %dma_wait3A_37 = arith.constant 0 : i32
    %dma_wait3A_38 = arith.constant 0 : i32
    %dma_wait3A_39 = tpu.memref_slice %arg4[%dma_wait3A_37, %dma_wait3A_38] : memref<1000000x32xf32, #tpu.memory_space<hbm>> -> memref<256x32xf32, #tpu.memory_space<hbm>>
    tpu.wait_dma2 semaphore(%arg9 : memref<!tpu.dma_semaphore, #tpu.memory_space<semaphore_mem>>) src(%dma_wait3A_39 : memref<256x32xf32, #tpu.memory_space<hbm>>) dst(%arg8 : memref<256x32xf32, #tpu.memory_space<vmem>>)
    %add3A_40 = arith.constant 256 : i32
    %add3A_41 = arith.addi %mul3A_2, %add3A_40 : i32
    %run_scoped3A_42 = arith.constant 0 : i32
    "tpu.region"() ({
      %run_scoped3A_46 = tpu.sem_alloc : memref<!tpu.dma_semaphore, #tpu.memory_space<semaphore_mem>>
      %dma_start3A = arith.constant 0 : i32
      %dma_start3A_47 = tpu.memref_slice %arg5[%run_scoped3A_42, %add3A_41, %dma_start3A] : memref<2x16384x32xf32, #tpu.memory_space<hbm>> -> memref<1x256x32xf32, #tpu.memory_space<hbm>>
      %dma_start3A_48 = tpu.memref_squeeze %dma_start3A_47 : memref<1x256x32xf32, #tpu.memory_space<hbm>> -> memref<256x32xf32, #tpu.memory_space<hbm>>
      %dma_start3A_49 = arith.constant 0 : i32
      %dma_start3A_50 = tpu.memref_slice %arg5[%run_scoped3A_42, %add3A_41, %dma_start3A_49] : memref<2x16384x32xf32, #tpu.memory_space<hbm>> -> memref<1x256x32xf32, #tpu.memory_space<hbm>>
      %dma_start3A_51 = tpu.memref_squeeze %dma_start3A_50 : memref<1x256x32xf32, #tpu.memory_space<hbm>> -> memref<256x32xf32, #tpu.memory_space<hbm>>
      tpu.enqueue_dma source(%arg7 : memref<256x32xf32, #tpu.memory_space<vmem>>) target(%dma_start3A_51 : memref<256x32xf32, #tpu.memory_space<hbm>>) target_semaphore(%run_scoped3A_46 : memref<!tpu.dma_semaphore, #tpu.memory_space<semaphore_mem>>)
      %dma_wait3A_52 = arith.constant 0 : i32
      %dma_wait3A_53 = tpu.memref_slice %arg5[%run_scoped3A_42, %add3A_41, %dma_wait3A_52] : memref<2x16384x32xf32, #tpu.memory_space<hbm>> -> memref<1x256x32xf32, #tpu.memory_space<hbm>>
      %dma_wait3A_54 = tpu.memref_squeeze %dma_wait3A_53 : memref<1x256x32xf32, #tpu.memory_space<hbm>> -> memref<256x32xf32, #tpu.memory_space<hbm>>
      %dma_wait3A_55 = arith.constant 0 : i32
      %dma_wait3A_56 = tpu.memref_slice %arg5[%run_scoped3A_42, %add3A_41, %dma_wait3A_55] : memref<2x16384x32xf32, #tpu.memory_space<hbm>> -> memref<1x256x32xf32, #tpu.memory_space<hbm>>
      %dma_wait3A_57 = tpu.memref_squeeze %dma_wait3A_56 : memref<1x256x32xf32, #tpu.memory_space<hbm>> -> memref<256x32xf32, #tpu.memory_space<hbm>>
      tpu.wait_dma2 semaphore(%run_scoped3A_46 : memref<!tpu.dma_semaphore, #tpu.memory_space<semaphore_mem>>) src(%arg7 : memref<256x32xf32, #tpu.memory_space<vmem>>) dst(%dma_wait3A_57 : memref<256x32xf32, #tpu.memory_space<hbm>>)
      tpu.yield
    }) : () -> ()
    %add3A_43 = arith.constant 256 : i32
    %add3A_44 = arith.addi %mul3A_2, %add3A_43 : i32
    %run_scoped3A_45 = arith.constant 1 : i32
    "tpu.region"() ({
      %run_scoped3A_46 = tpu.sem_alloc : memref<!tpu.dma_semaphore, #tpu.memory_space<semaphore_mem>>
      %dma_start3A = arith.constant 0 : i32
      %dma_start3A_47 = tpu.memref_slice %arg5[%run_scoped3A_45, %add3A_44, %dma_start3A] : memref<2x16384x32xf32, #tpu.memory_space<hbm>> -> memref<1x256x32xf32, #tpu.memory_space<hbm>>
      %dma_start3A_48 = tpu.memref_squeeze %dma_start3A_47 : memref<1x256x32xf32, #tpu.memory_space<hbm>> -> memref<256x32xf32, #tpu.memory_space<hbm>>
      %dma_start3A_49 = arith.constant 0 : i32
      %dma_start3A_50 = tpu.memref_slice %arg5[%run_scoped3A_45, %add3A_44, %dma_start3A_49] : memref<2x16384x32xf32, #tpu.memory_space<hbm>> -> memref<1x256x32xf32, #tpu.memory_space<hbm>>
      %dma_start3A_51 = tpu.memref_squeeze %dma_start3A_50 : memref<1x256x32xf32, #tpu.memory_space<hbm>> -> memref<256x32xf32, #tpu.memory_space<hbm>>
      tpu.enqueue_dma source(%arg8 : memref<256x32xf32, #tpu.memory_space<vmem>>) target(%dma_start3A_51 : memref<256x32xf32, #tpu.memory_space<hbm>>) target_semaphore(%run_scoped3A_46 : memref<!tpu.dma_semaphore, #tpu.memory_space<semaphore_mem>>)
      %dma_wait3A_52 = arith.constant 0 : i32
      %dma_wait3A_53 = tpu.memref_slice %arg5[%run_scoped3A_45, %add3A_44, %dma_wait3A_52] : memref<2x16384x32xf32, #tpu.memory_space<hbm>> -> memref<1x256x32xf32, #tpu.memory_space<hbm>>
      %dma_wait3A_54 = tpu.memref_squeeze %dma_wait3A_53 : memref<1x256x32xf32, #tpu.memory_space<hbm>> -> memref<256x32xf32, #tpu.memory_space<hbm>>
      %dma_wait3A_55 = arith.constant 0 : i32
      %dma_wait3A_56 = tpu.memref_slice %arg5[%run_scoped3A_45, %add3A_44, %dma_wait3A_55] : memref<2x16384x32xf32, #tpu.memory_space<hbm>> -> memref<1x256x32xf32, #tpu.memory_space<hbm>>
      %dma_wait3A_57 = tpu.memref_squeeze %dma_wait3A_56 : memref<1x256x32xf32, #tpu.memory_space<hbm>> -> memref<256x32xf32, #tpu.memory_space<hbm>>
      tpu.wait_dma2 semaphore(%run_scoped3A_46 : memref<!tpu.dma_semaphore, #tpu.memory_space<semaphore_mem>>) src(%arg8 : memref<256x32xf32, #tpu.memory_space<vmem>>) dst(%dma_wait3A_57 : memref<256x32xf32, #tpu.memory_space<hbm>>)
      tpu.yield
    }) : () -> ()
    return
  }
}

</mosaic_0001>

<sc_bundles>
// kernel: kernel.3.cloned.1.call-start
scs
__scs_entry_jumppad:
0x0: {  	(pc) =	sbr.rel $0x88, $3  }
0x1: {  	(tag) =	ssettag $0x0;
	lr =	simm.s32 $0x1  }
0x2: {  	[smem:$0x3F9E] =	sst lr;
	_ =	strace $0xD0000000  }
0x3: {  	_ = 	snop  }
0x4: {  	_ = 	snop  }
0x5: {  	_ = 	snop  }
0x6: {  	_ = 	snop  }
0x7: {  	_ = 	snop  }
__scs_overlays_trampoline_lowered:
0x8: {  	[smem:$0x3FAD] =	sst s0  }
0x9: {  	[smem:$0x3FAE] =	sst s1  }
0xa: {  	[smem:$0x3FAF] =	sst s2  }
0xb: {  	[smem:$0x3FB0] =	sst s3  }
0xc: {  	[smem:$0x3FB1] =	sst s4  }
0xd: {  	[smem:$0x3FB2] =	sst s5  }
0xe: {  	[smem:$0x3FB3] =	sst s6  }
0xf: {  	[smem:$0x3FB4] =	sst s7  }
0x10: {  	[smem:$0x3FB5] =	sst s8  }
0x11: {  	[smem:$0x3FB6] =	sst s9;
	s0 =	simm.s32 @!p0 $0x0  }
0x12: {  	s1 =	sld [smem:$0x3F9C];
	s0 =	simm.s32 @p0 $0x1  }
0x13: {  	[smem:$0x3FB7] =	sst s0;
	s0 =	simm.s32 @!p1 $0x0  }
0x14: {  	s2 =	sld [smem:$0x3F9B];
	s0 =	simm.s32 @p1 $0x1  }
0x15: {  	[smem:$0x3FB8] =	sst s0;
	s0 =	simm.s32 @!p2 $0x0  }
0x16: {  	s3 =	sld [smem:$0x3FDB];
	s0 =	simm.s32 @p2 $0x1  }
0x17: {  	s4 =	simm.s32 $0x1BF5;
	[smem:$0x3FBA] =	sst s0  }
0x18: {  	s0 =	sld [smem:$0x3F9D];
	_ =	swait.ge [sflag:s4], $0x0  }
0x19: {  	s7 =	sld [smem:$0x3F9E]  }
0x1a: {  	s8 =	sadd.s32 $0xFFFFE003, lr  }
0x1b: {  	s9 =	sadd.s32 $0xFFFFFEF7, lr;
	s5 =	simm.s32 $0xFFFFFFFF;
	p2 =	slt.u32 s8, $0xFFFFF086  }
0x1c: {  	p1 =	slt.u32 s9, $0xF7A;
	s5 =	simm.s32 @!p2 $0x0  }
0x1d: {  	s5 =	simm.s32 @p1 $0x1;
	p0 =	seq.s32 s7, s2  }
0x1e: {  	s7 =	smul.u32 @!p0 $0xF7A, s2;
	p2 =	seq.s32 @!p0 s5, $0x0  }
0x1f: {  	s9 =	smul.u32 $0xF7A, s1;
	s8 =	simm.s32 @!p0 $0x1BF5;
	p2 =	por !p2, p0  }
0x20: {  	[sflag:s8] =	ssyncset.s32 @!p0 $0xFFFFF086;
	s6 =	sadd.s32 @!p0 s3, s7;
	s7 =	simm.s32 @!p0 $0x108  }
0x21: {  	s3 =	sadd.s32 s3, s9;
	s6 =	sadd.s32 @!p0 $0x88, s6;
	s7 =	simm.s32 @p2 $0x1082  }
0x22: {  	[simem:s7], [sflag:s8] =	dma.local @!p0 [hbm:s6], $0xF7A  }
0x23: {  	s9 =	sor.u32 $0xD0000000, s2;
	s6 =	simm.s32 $0x108;
	_ =	swait.ge @!p0 [sflag:s8], $0x0  }
0x24: {  	s3 =	sadd.s32 $0x88, s3;
	s6 =	simm.s32 @!p1 $0x1082;
	[sflag:s4] =	ssyncset.s32 $0xFFFFF086  }
0x25: {  	[simem:s6], [sflag:s4] =	dma.local [hbm:s3], $0xF7A  }
0x26: {  	[smem:$0x3F9E] =	sst s1;
	(tag) =	ssettag s2;
	_ =	strace s9  }
0x27: {  	s1 =	sld [smem:$0x3FAE]  }
0x28: {  	s2 =	sld [smem:$0x3FAF]  }
0x29: {  	s4 =	sld [smem:$0x3FB1]  }
0x2a: {  	p0 =	seq.s32 s5, $0x0;
	s5 =	sld [smem:$0x3FB2]  }
0x2b: {  	s6 =	sld [smem:$0x3FB3]  }
0x2c: {  	s7 =	sld [smem:$0x3FB4]  }
0x2d: {  	s3 =	simm.s32 $0x108;
	s8 =	sld [smem:$0x3FB5]  }
0x2e: {  	s3 =	simm.s32 @!p0 $0x1082;
	s9 =	sld [smem:$0x3FB6]  }
0x2f: {  	lr =	sadd.s32 s0, s3;
	s0 =	sld [smem:$0x3FAD]  }
0x30: {  	s3 =	sld [smem:$0x3FB0]  }
0x31: {  	[smem:$0x3FB9] =	sst s10  }
0x32: {  	s10 =	sld [smem:$0x3FB7];
	_ =	sdelay $0x3  }
0x33: {  	p0 =	seq.s32 s10, $0x1;
	s10 =	sld [smem:$0x3FB9];
	_ =	sdelay $0x3  }
0x34: {  	[smem:$0x3FB9] =	sst s10  }
0x35: {  	s10 =	sld [smem:$0x3FB8];
	_ =	sdelay $0x3  }
0x36: {  	p1 =	seq.s32 s10, $0x1;
	s10 =	sld [smem:$0x3FB9];
	_ =	sdelay $0x3  }
0x37: {  	[smem:$0x3FB9] =	sst s10  }
0x38: {  	s10 =	sld [smem:$0x3FBA]  }
0x39: {  	_ = 	snop;
	(pc) =	sbr.ind lr, $3  }
0x3a: {  	_ = 	snop  }
0x3b: {  	_ = 	snop  }
0x3c: {  	p2 =	seq.s32 s10, $0x1;
	s10 =	sld [smem:$0x3FB9]  }
0x3d: {  	_ =	shalt  }
0x3e: {  	_ =	shalt  }
0x3f: {  	_ =	shalt  }
0x40: {  	_ =	shalt  }
0x41: {  	_ =	shalt  }
0x42: {  	_ =	shalt  }
0x43: {  	_ =	shalt  }
0x44: {  	_ =	shalt  }
0x45: {  	_ =	shalt  }
0x46: {  	_ =	shalt  }
0x47: {  	_ =	shalt  }
0x48: {  	_ =	shalt  }
0x49: {  	_ =	shalt  }
0x4a: {  	_ =	shalt  }
0x4b: {  	_ =	shalt  }
0x4c: {  	_ =	shalt  }
0x4d: {  	_ =	shalt  }
0x4e: {  	_ =	shalt  }
0x4f: {  	_ =	shalt  }
0x50: {  	_ =	shalt  }
0x51: {  	_ =	shalt  }
0x52: {  	_ =	shalt  }
0x53: {  	_ =	shalt  }
0x54: {  	_ =	shalt  }
0x55: {  	_ =	shalt  }
0x56: {  	_ =	shalt  }
0x57: {  	_ =	shalt  }
0x58: {  	_ =	shalt  }
0x59: {  	_ =	shalt  }
0x5a: {  	_ =	shalt  }
0x5b: {  	_ =	shalt  }
0x5c: {  	_ =	shalt  }
0x5d: {  	_ =	shalt  }
0x5e: {  	_ =	shalt  }
0x5f: {  	_ =	shalt  }
0x60: {  	_ =	shalt  }
0x61: {  	_ =	shalt  }
0x62: {  	_ =	shalt  }
0x63: {  	_ =	shalt  }
0x64: {  	_ =	shalt  }
0x65: {  	_ =	shalt  }
0x66: {  	_ =	shalt  }
0x67: {  	_ =	shalt  }
0x68: {  	_ =	shalt  }
0x69: {  	_ =	shalt  }
0x6a: {  	_ =	shalt  }
0x6b: {  	_ =	shalt  }
0x6c: {  	_ =	shalt  }
0x6d: {  	_ =	shalt  }
0x6e: {  	_ =	shalt  }
0x6f: {  	_ =	shalt  }
0x70: {  	_ =	shalt  }
0x71: {  	_ =	shalt  }
0x72: {  	_ =	shalt  }
0x73: {  	_ =	shalt  }
0x74: {  	_ =	shalt  }
0x75: {  	_ =	shalt  }
0x76: {  	_ =	shalt  }
0x77: {  	_ =	shalt  }
0x78: {  	_ =	shalt  }
0x79: {  	_ =	shalt  }
0x7a: {  	_ =	shalt  }
0x7b: {  	_ =	shalt  }
0x7c: {  	_ =	shalt  }
0x7d: {  	_ =	shalt  }
0x7e: {  	_ =	shalt  }
0x7f: {  	_ =	shalt  }
0x80: {  	_ =	shalt  }
0x81: {  	_ =	shalt  }
0x82: {  	_ =	shalt  }
0x83: {  	_ =	shalt  }
0x84: {  	_ =	shalt  }
0x85: {  	_ =	shalt  }
0x86: {  	_ =	shalt  }
0x87: {  	_ =	shalt  }
.Lfunc_end0:
.L_simem_size_0:
called_computation_lowered:
.L_overlay_start_0:
0x88: {  	s2 =	sld [smem:$0x3FD9]  }
0x89: {  	s3 =	sld [smem:$0x3FFE];
	_ =	sdelay $0x1  }
0x8a: {  	s1 =	srdreg.scid  }
0x8b: {  	s0 =	sand.u32 $0x1, s1  }
0x8c: {  	s17 =	sshll.u32 s0, $0xA;
	s2 =	sadd.s32 s3, s2  }
0x8d: {  	s2 =	sadd.s32 s2, s17  }
0x8e: {  	[smem:$0x3FC5] =	sst s2  }
0x8f: {  	_ = 	snop  }
0x90: {  	s2 =	sld [smem:$0x3FD0];
	(tm) =	ssettm $0x1  }
0x91: {  	s18 =	sld [smem:$0x3FFB];
	_ =	sdelay $0x3  }
0x92: {  	_ =	strace s18  }
0x93: {  	s3 =	sld [smem:$0x3FFC];
	_ =	sdelay $0x3  }
0x94: {  	_ =	strace s3  }
0x95: {  	s3 =	sld [smem:$0x3FFD];
	_ =	sdelay $0x3  }
0x96: {  	_ =	strace s3  }
0x97: {  	_ =	strace $0x8FFFFFFF  }
0x98: {  	s19 =	sld [smem:$0x3FDB];
	_ =	sdelay $0x1  }
0x99: {  	s4 =	simm.s32 $_scs_section_size  }
0x9a: {  	s5 =	simm.s32 $_size__tile_overlayer_lowered;
	s6 =	simm.s32 $_tile_overlayer_lowered  }
0x9b: {  	s22 =	simm.s32 $0x1BFF;
	s21 =	sshll.u32 s6, $0x1;
	s3 =	sadd.s32 s4, s19  }
0x9c: {  	s7 =	simm.s32 $0x0;
	s20 =	sshll.u32 s5, $0x1;
	s5 =	sadd.s32 s21, s3  }
0x9d: {  	[timem:s7], [sflag:s22] =	dma.local [hbm:s5], s20  }
0x9e: {  	_ =	swait.ge [sflag:s22], s20  }
0x9f: {  	s4 =	ssub.s32 $0x0, s20;
	[sflag:s22] =	ssyncset.done $0x0  }
0xa0: {  	[sflag:s22] =	ssyncadd.s32 s4;
	_ =	sdelay $0x1  }
0xa1: {  	s23 =	simm.s32 $0x1B8B  }
0xa2: {  	_ =	swait.ge [sflag:s23], $0x1  }
0xa3: {  	[sflag:s23] =	ssyncset.done $0x0  }
0xa4: {  	s25 =	simm.s32 $0x1B8E;
	s24 =	sld [smem:$0x3FFE];
	[sflag:s23] =	ssyncadd.s32 $0xFFFFFFFF  }
0xa5: {  	s26 =	simm.s32 $execute0_lowered;
	[smem:$0x3FD2] =	sst s25  }
0xa6: {  	s5 =	sshll.u32 s26, $0x1;
	_ =	strace $0x80000046;
	[dreg:$0x1] =	wrdreg $0xFFFFFFFF  }
0xa7: {  	s28 =	simm.s32 $_size_execute0_lowered;
	s3 =	sadd.s32 s3, s5;
	[dreg:$0x0] =	wrdreg $0x0  }
0xa8: {  	s5 =	sshll.u32 s28, $0x1;
	[dreg:$0x2] =	wrdreg s3  }
0xa9: {  	[dreg:$0x3] =	wrdreg s5  }
0xaa: {  	[dreg:$0x4] =	wrdreg $0xC0  }
0xab: {  	_ =	task [dreg:s7], $0x5FFFF  }
0xac: {  	[dreg:$0x1] =	wrdreg $0xFFFFFFFF  }
0xad: {  	[dreg:$0x0] =	wrdreg $0x60  }
0xae: {  	[dreg:$0x2] =	wrdreg s2  }
0xaf: {  	[dreg:$0x3] =	wrdreg s24  }
0xb0: {  	[dreg:$0x4] =	wrdreg $0x9  }
0xb1: {  	_ =	task.clear_ibuf [dreg:s7], $0x5FFFF;
	_ =	strace $0x90000046  }
0xb2: {  	s29 =	simm.s32 $0x9;
	_ =	strace $0x80000048  }
0xb3: {  	_ =	swait.ge [sflag:s29], $0x1  }
0xb4: {  	[sflag:s29] =	ssyncadd.s32 $0xFFFFFFFF  }
0xb5: {  	_ =	strace $0x90000048  }
0xb6: {  	_ =	sfence  }
0xb7: {  	s30 =	sld [smem:$0x0];
	_ =	sdelay $0x2  }
0xb8: {  	s31 =	sshll.u32 s1, $0xD;
	s1 =	sshrl.u32 s1, $0x2  }
0xb9: {  	s3 =	sand.u32 $0x4000, s31;
	s1 =	sadd.s32 s1, s30  }
0xba: {  	s0 =	sor.u32 s3, s0;
	s1 =	sshll.u32 s1, $0x11  }
0xbb: {  	s0 =	sor.u32 s1, s0  }
0xbc: {  	s0 =	sadd.s32 $0x8F2B, s0  }
0xbd: {  	[sflag:s0] =	ssyncadd.remote.s32 $0x1  }
0xbe: {  	_ =	sfence.sel $0xFFFF  }
0xbf: {  	[dreg:$0x0] =	wrdreg $0xFFFFFFFF;
	(pc) =	sbr.abs _section_cstart, $3  }
0xc0: {  	[dreg:$0x1] =	wrdreg $0xFFFFFFFF  }
0xc1: {  	_ =	task.clear_ibuf [dreg:s7], $0x2FFFF;
	_ =	strace $0x9FFFFFFF  }
0xc2: {  	(tm) =	ssettm $0x7FFFFFFF  }
0xc3: {  	_ =	shalt  }
tec
execute0_lowered:
.L_overlay_start_1:
0x0: {  	(tag) =	ssettag $0x1  }
0x1: {  	s5 =	rddreg [dreg:$0x0]  }
0x2: {  	s6 =	rddreg [dreg:$0x1]  }
0x3: {  	s0 =	rddreg [dreg:$0x2]  }
0x4: {  	s2 =	simm.s32 $0x0;
	s3 =	srdreg.scid;
	s1 =	stileid.u32  }
0x5: {  	s12 =	simm.s32 $0x400;
	s13 =	simm.s32 $0x2;
	s14 =	simm.s32 $0x1  }
0x6: {  	s15 =	simm.s32 $0x200;
	s16 =	simm.s32 $0x8200;
	s17 =	simm.s32 $0x0  }
0x7: {  	[smem:$0x7FF] =	sst s2;
	s7 =	sand.u32 $0x1, s3;
	s4 =	sshll.u32 s1, $0x1  }
0x8: {  	s3 =	sadd.s32 $0x400, s6;
	s10 =	sshll.u32 s1, $0x7;
	_ =	strace $0x80000047  }
0x9: {  	s8 =	sor.u32 s7, s4;
	s4 =	sadd.s32 $0xF42800, s6;
	s7 =	ssub.s32 $0x2, s7  }
0xa: {  	s30 =	sand.u32 $0x600, s10;
	s9 =	sshll.u32 s8, $0xD;
	s29 =	sshrl.u32 s7, $0x1  }
0xb: {  	s31 =	sshll.u32 s8, $0x4;
	s9 =	sadd.s32 s9, s6;
	s11 =	ssub.s32 s7, s29  }
0xc: {  	s7 =	sand.u32 $0x70, s31;
	s6 =	sadd.s32 s5, s30;
	s5 =	sadd.s32 $0x1E84C00, s9  }
0xd: {  	s6 =	sadd.s32 s7, s6;
	s7 =	sadd.s32 $0x1EC4C00, s9;
	s8 =	sadd.s32 $0x1E85C00, s9  }
0xe: {  	s9 =	sadd.s32 $0x1EC5C00, s9;
	s10 =	smax.u32 s11, $0x1;
	s11 =	simm.s32 $0x80  }
.LBB2_1:
0xf: {  	[tilespmem:s2], [sflag:$0x2] =	stream.strided.gather [hbm4b:s6+s11], $0x200, s12, s11, $0x38;
	[tilespmem:$0x10200] =	vst v63  }
0x10: {  	_ =	swait.ge [sflag:s13], $0x200  }
0x11: {  	[sflag:s13] =	ssyncset.done $0x0  }
0x12: {  	[sflag:s13] =	ssyncadd.s32 $0xFFFFFE00  }
0x13: {  	v0 =	vld [tilespmem:s2+$0x0];
	_ =	sdelay $0x4  }
0x14: {  	v0 =	vshll.u32 v0, $0x4  }
0x15: {  	(v2sf) =	vpush v0, $0x0;
	_ =	sdelay $0x1  }
0x16: {  	(v2sf) =	vpush v0, $0x1;
	_ =	sdelay $0x3  }
0x17: {  	(v2sf) =	vpush v0, $0x2;
	_ =	sdelay $0x1  }
0x18: {  	(v2sf) =	vpush v0, $0x3;
	_ =	sdelay $0x1  }
0x19: {  	(v2sf) =	vpush v0, $0x4;
	_ =	sdelay $0x4  }
0x1a: {  	s21 =	simm.s32 $0x200;
	s18 =	spop (v2sf)  }
0x1b: {  	s23 =	simm.s32 $0x280;
	s25 =	simm.s32 $0x8280;
	s18 =	sand.u32 $0x1FFFFFF0, s18  }
0x1c: {  	s28 =	simm.s32 $0x300;
	s19 =	spop (v2sf);
	s20 =	sadd.s32 s3, s18  }
0x1d: {  	(v2sf) =	vpush v0, $0x5;
	[tilespmem:s21], [sflag:$0x1] =	stream.linear.gather [hbm4b:s20+s2], $0x80, $0x38;
	[tilespmem:$0x10200] =	vst v63  }
0x1e: {  	s19 =	sand.u32 $0x1FFFFFF0, s19;
	s18 =	sadd.s32 s4, s18;
	s21 =	simm.s32 $0x8200  }
0x1f: {  	(v2sf) =	vpush v0, $0x6;
	[tilespmem:s21], [sflag:$0x1] =	stream.linear.gather [hbm4b:s18+s2], $0x80, $0x38;
	[tilespmem:$0x10200] =	vst v63  }
0x20: {  	s30 =	simm.s32 $0x8300;
	s22 =	spop (v2sf);
	s24 =	sadd.s32 s3, s19  }
0x21: {  	(v2sf) =	vpush v0, $0x7;
	[tilespmem:s23], [sflag:$0x1] =	stream.linear.gather [hbm4b:s24+s2], $0x80, $0x38;
	[tilespmem:$0x10200] =	vst v63  }
0x22: {  	s19 =	sadd.s32 s4, s19;
	s26 =	spop (v2sf);
	s18 =	sand.u32 $0x1FFFFFF0, s22  }
0x23: {  	[tilespmem:s25], [sflag:$0x1] =	stream.linear.gather [hbm4b:s19+s2], $0x80, $0x38;
	[tilespmem:$0x10200] =	vst v63  }
0x24: {  	s20 =	simm.s32 $0x8980;
	s31 =	spop (v2sf);
	s29 =	sadd.s32 s3, s18  }
0x25: {  	(v2sf) =	vpush v0, $0x8;
	[tilespmem:s28], [sflag:$0x1] =	stream.linear.gather [hbm4b:s29+s2], $0x80, $0x38;
	[tilespmem:$0x10200] =	vst v63  }
0x26: {  	s21 =	simm.s32 $0x380;
	s18 =	sadd.s32 s4, s18;
	s19 =	sand.u32 $0x1FFFFFF0, s26  }
0x27: {  	[tilespmem:s30], [sflag:$0x1] =	stream.linear.gather [hbm4b:s18+s2], $0x80, $0x38;
	[tilespmem:$0x10200] =	vst v63  }
0x28: {  	s23 =	simm.s32 $0x8380;
	s25 =	simm.s32 $0x400;
	s22 =	sadd.s32 s3, s19  }
0x29: {  	[tilespmem:s21], [sflag:$0x1] =	stream.linear.gather [hbm4b:s22+s2], $0x80, $0x38;
	[tilespmem:$0x10200] =	vst v63  }
0x2a: {  	s19 =	sadd.s32 s4, s19;
	s28 =	simm.s32 $0x8400;
	s18 =	sand.u32 $0x1FFFFFF0, s31  }
0x2b: {  	[tilespmem:s23], [sflag:$0x1] =	stream.linear.gather [hbm4b:s19+s2], $0x80, $0x38;
	[tilespmem:$0x10200] =	vst v63  }
0x2c: {  	s30 =	simm.s32 $0x480;
	s26 =	sadd.s32 s3, s18;
	s24 =	spop (v2sf)  }
0x2d: {  	(v2sf) =	vpush v0, $0x9;
	[tilespmem:s25], [sflag:$0x1] =	stream.linear.gather [hbm4b:s26+s2], $0x80, $0x38;
	[tilespmem:$0x10200] =	vst v63  }
0x2e: {  	s18 =	sadd.s32 s4, s18;
	s29 =	spop (v2sf);
	s19 =	sand.u32 $0x1FFFFFF0, s24  }
0x2f: {  	(v2sf) =	vpush v0, $0xA;
	[tilespmem:s28], [sflag:$0x1] =	stream.linear.gather [hbm4b:s18+s2], $0x80, $0x38;
	[tilespmem:$0x10200] =	vst v63  }
0x30: {  	s21 =	simm.s32 $0x8480;
	s22 =	spop (v2sf);
	s31 =	sadd.s32 s3, s19  }
0x31: {  	(v2sf) =	vpush v0, $0xB;
	[tilespmem:s30], [sflag:$0x1] =	stream.linear.gather [hbm4b:s31+s2], $0x80, $0x38;
	[tilespmem:$0x10200] =	vst v63  }
0x32: {  	s23 =	simm.s32 $0x500;
	s19 =	sadd.s32 s4, s19;
	s18 =	sand.u32 $0x1FFFFFF0, s29  }
0x33: {  	[tilespmem:s21], [sflag:$0x1] =	stream.linear.gather [hbm4b:s19+s2], $0x80, $0x38;
	[tilespmem:$0x10200] =	vst v63  }
0x34: {  	s25 =	simm.s32 $0x8500;
	s26 =	spop (v2sf);
	s24 =	sadd.s32 s3, s18  }
0x35: {  	(v2sf) =	vpush v0, $0xC;
	[tilespmem:s23], [sflag:$0x1] =	stream.linear.gather [hbm4b:s24+s2], $0x80, $0x38;
	[tilespmem:$0x10200] =	vst v63  }
0x36: {  	s28 =	simm.s32 $0x580;
	s18 =	sadd.s32 s4, s18;
	s19 =	sand.u32 $0x1FFFFFF0, s22  }
0x37: {  	[tilespmem:s25], [sflag:$0x1] =	stream.linear.gather [hbm4b:s18+s2], $0x80, $0x38;
	[tilespmem:$0x10200] =	vst v63  }
0x38: {  	s30 =	simm.s32 $0x8580;
	s21 =	simm.s32 $0x600;
	s29 =	sadd.s32 s3, s19  }
0x39: {  	[tilespmem:s28], [sflag:$0x1] =	stream.linear.gather [hbm4b:s29+s2], $0x80, $0x38;
	[tilespmem:$0x10200] =	vst v63  }
0x3a: {  	s19 =	sadd.s32 s4, s19;
	s23 =	simm.s32 $0x8600;
	s18 =	sand.u32 $0x1FFFFFF0, s26  }
0x3b: {  	[tilespmem:s30], [sflag:$0x1] =	stream.linear.gather [hbm4b:s19+s2], $0x80, $0x38;
	[tilespmem:$0x10200] =	vst v63  }
0x3c: {  	s25 =	simm.s32 $0x680;
	s31 =	spop (v2sf);
	s22 =	sadd.s32 s3, s18  }
0x3d: {  	(v2sf) =	vpush v0, $0xD;
	[tilespmem:s21], [sflag:$0x1] =	stream.linear.gather [hbm4b:s22+s2], $0x80, $0x38;
	[tilespmem:$0x10200] =	vst v63  }
0x3e: {  	s18 =	sadd.s32 s4, s18;
	s24 =	spop (v2sf);
	s19 =	sand.u32 $0x1FFFFFF0, s31  }
0x3f: {  	(v2sf) =	vpush v0, $0xE;
	[tilespmem:s23], [sflag:$0x1] =	stream.linear.gather [hbm4b:s18+s2], $0x80, $0x38;
	[tilespmem:$0x10200] =	vst v63  }
0x40: {  	s28 =	simm.s32 $0x8680;
	s29 =	spop (v2sf);
	s26 =	sadd.s32 s3, s19  }
0x41: {  	(v2sf) =	vpush v0, $0xF;
	[tilespmem:s25], [sflag:$0x1] =	stream.linear.gather [hbm4b:s26+s2], $0x80, $0x38;
	[tilespmem:$0x10200] =	vst v63  }
0x42: {  	s30 =	simm.s32 $0x700;
	s19 =	sadd.s32 s4, s19;
	s18 =	sand.u32 $0x1FFFFFF0, s24  }
0x43: {  	[tilespmem:s28], [sflag:$0x1] =	stream.linear.gather [hbm4b:s19+s2], $0x80, $0x38;
	[tilespmem:$0x10200] =	vst v63  }
0x44: {  	s21 =	simm.s32 $0x8700;
	s22 =	spop (v2sf);
	s31 =	sadd.s32 s3, s18  }
0x45: {  	[tilespmem:s30], [sflag:$0x1] =	stream.linear.gather [hbm4b:s31+s2], $0x80, $0x38;
	[tilespmem:$0x10200] =	vst v63  }
0x46: {  	s23 =	simm.s32 $0x780;
	s18 =	sadd.s32 s4, s18;
	s19 =	sand.u32 $0x1FFFFFF0, s29  }
0x47: {  	[tilespmem:s21], [sflag:$0x1] =	stream.linear.gather [hbm4b:s18+s2], $0x80, $0x38;
	[tilespmem:$0x10200] =	vst v63  }
0x48: {  	s25 =	simm.s32 $0x8780;
	s28 =	simm.s32 $0x800;
	s24 =	sadd.s32 s3, s19  }
0x49: {  	[tilespmem:s23], [sflag:$0x1] =	stream.linear.gather [hbm4b:s24+s2], $0x80, $0x38;
	[tilespmem:$0x10200] =	vst v63  }
0x4a: {  	s19 =	sadd.s32 s4, s19;
	s30 =	simm.s32 $0x8800;
	s18 =	sand.u32 $0x1FFFFFF0, s22  }
0x4b: {  	[tilespmem:s25], [sflag:$0x1] =	stream.linear.gather [hbm4b:s19+s2], $0x80, $0x38;
	[tilespmem:$0x10200] =	vst v63  }
0x4c: {  	s26 =	spop (v2sf);
	s22 =	simm.s32 $0x880;
	s29 =	sadd.s32 s3, s18  }
0x4d: {  	[tilespmem:s28], [sflag:$0x1] =	stream.linear.gather [hbm4b:s29+s2], $0x80, $0x38;
	[tilespmem:$0x10200] =	vst v63  }
0x4e: {  	s18 =	sadd.s32 s4, s18;
	s31 =	spop (v2sf);
	s19 =	sand.u32 $0x1FFFFFF0, s26  }
0x4f: {  	[tilespmem:s30], [sflag:$0x1] =	stream.linear.gather [hbm4b:s18+s2], $0x80, $0x38;
	[tilespmem:$0x10200] =	vst v63  }
0x50: {  	s24 =	simm.s32 $0x8880;
	s25 =	spop (v2sf);
	s23 =	sadd.s32 s3, s19  }
0x51: {  	[tilespmem:s22], [sflag:$0x1] =	stream.linear.gather [hbm4b:s23+s2], $0x80, $0x38;
	[tilespmem:$0x10200] =	vst v63  }
0x52: {  	s26 =	simm.s32 $0x900;
	s19 =	sadd.s32 s4, s19;
	s18 =	sand.u32 $0x1FFFFFF0, s31  }
0x53: {  	[tilespmem:s24], [sflag:$0x1] =	stream.linear.gather [hbm4b:s19+s2], $0x80, $0x38;
	[tilespmem:$0x10200] =	vst v63  }
0x54: {  	s29 =	simm.s32 $0x8900;
	s28 =	sadd.s32 s3, s18;
	s19 =	sand.u32 $0x1FFFFFF0, s25  }
0x55: {  	[tilespmem:s26], [sflag:$0x1] =	stream.linear.gather [hbm4b:s28+s2], $0x80, $0x38;
	[tilespmem:$0x10200] =	vst v63  }
0x56: {  	s30 =	simm.s32 $0x980;
	s18 =	sadd.s32 s4, s18;
	s31 =	sadd.s32 s3, s19  }
0x57: {  	[tilespmem:s29], [sflag:$0x1] =	stream.linear.gather [hbm4b:s18+s2], $0x80, $0x38;
	[tilespmem:$0x10200] =	vst v63  }
0x58: {  	s21 =	sadd.s32 s4, s19;
	s19 =	simm.s32 $0x0;
	s18 =	simm.s32 $0x2000  }
0x59: {  	[tilespmem:s30], [sflag:$0x1] =	stream.linear.gather [hbm4b:s31+s2], $0x80, $0x38;
	[tilespmem:$0x10200] =	vst v63  }
.LBB2_2:
0x5a: {  	p0 =	sne.s32 s18, $0x1E000  }
0x5b: {  	s19 =	sadd.s32 $0x10, s19;
	s22 =	smov.u32 s18;
	s18 =	sadd.s32 $0x2000, s18  }
0x5c: {  	[tilespmem:s20], [sflag:$0x1] =	stream.linear.gather [hbm4b:s21+s2], $0x80, $0x38;
	[tilespmem:$0x10200] =	vst v63  }
0x5d: {  	v0 =	vld [tilespmem:s19+$0x0];
	_ =	sdelay $0x4  }
0x5e: {  	v0 =	vshll.u32 v0, $0x4  }
0x5f: {  	(v2sf) =	vpush v0, $0x0  }
0x60: {  	(v2sf) =	vpush v0, $0x1  }
0x61: {  	(v2sf) =	vpush v0, $0x2;
	_ =	sdelay $0x2  }
0x62: {  	(v2sf) =	vpush v0, $0x3;
	_ =	sdelay $0x3  }
0x63: {  	(v2sf) =	vpush v0, $0x4;
	_ =	sdelay $0x3  }
0x64: {  	(v2sf) =	vpush v0, $0x5;
	_ =	sdelay $0x1  }
0x65: {  	s21 =	spop (v2sf)  }
0x66: {  	s20 =	sshra.s32 s22, $0x2;
	s21 =	sand.u32 $0x1FFFFFF0, s21;
	s22 =	spop (v2sf)  }
0x67: {  	s24 =	sadd.s32 $0x8200, s20;
	s23 =	sadd.s32 s3, s21;
	s25 =	spop (v2sf);
	(v2sf) =	vpush v0, $0x6  }
0x68: {  	s26 =	sadd.s32 $0x200, s20;
	s22 =	sand.u32 $0x1FFFFFF0, s22;
	s25 =	sand.u32 $0x1FFFFFF0, s25  }
0x69: {  	[tilespmem:s26], [sflag:$0x1] =	stream.linear.gather [hbm4b:s23+s2], $0x80, $0x38;
	[tilespmem:$0x10200] =	vst v63  }
0x6a: {  	s21 =	sadd.s32 s4, s21;
	s23 =	sadd.s32 $0x280, s20;
	s26 =	spop (v2sf)  }
0x6b: {  	[tilespmem:s24], [sflag:$0x1] =	stream.linear.gather [hbm4b:s21+s2], $0x80, $0x38;
	(v2sf) =	vpush v0, $0x7;
	[tilespmem:$0x10200] =	vst v63  }
0x6c: {  	s21 =	sadd.s32 s3, s22;
	s24 =	sadd.s32 $0x8280, s20;
	s26 =	sand.u32 $0x1FFFFFF0, s26  }
0x6d: {  	[tilespmem:s23], [sflag:$0x1] =	stream.linear.gather [hbm4b:s21+s2], $0x80, $0x38;
	[tilespmem:$0x10200] =	vst v63  }
0x6e: {  	s21 =	sadd.s32 s4, s22;
	s22 =	sadd.s32 $0x300, s20;
	s23 =	spop (v2sf)  }
0x6f: {  	[tilespmem:s24], [sflag:$0x1] =	stream.linear.gather [hbm4b:s21+s2], $0x80, $0x38;
	[tilespmem:$0x10200] =	vst v63  }
0x70: {  	s21 =	sadd.s32 s3, s25;
	s24 =	sadd.s32 $0x8300, s20;
	s23 =	sand.u32 $0x1FFFFFF0, s23  }
0x71: {  	[tilespmem:s22], [sflag:$0x1] =	stream.linear.gather [hbm4b:s21+s2], $0x80, $0x38;
	(v2sf) =	vpush v0, $0x8;
	[tilespmem:$0x10200] =	vst v63  }
0x72: {  	s21 =	sadd.s32 s4, s25;
	s22 =	sadd.s32 $0x380, s20;
	s25 =	spop (v2sf)  }
0x73: {  	[tilespmem:s24], [sflag:$0x1] =	stream.linear.gather [hbm4b:s21+s2], $0x80, $0x38;
	[tilespmem:$0x10200] =	vst v63  }
0x74: {  	s21 =	sadd.s32 s3, s26;
	s24 =	sadd.s32 $0x8380, s20;
	s25 =	sand.u32 $0x1FFFFFF0, s25  }
0x75: {  	[tilespmem:s22], [sflag:$0x1] =	stream.linear.gather [hbm4b:s21+s2], $0x80, $0x38;
	(v2sf) =	vpush v0, $0x9;
	[tilespmem:$0x10200] =	vst v63  }
0x76: {  	s21 =	sadd.s32 s4, s26;
	s22 =	sadd.s32 $0x400, s20;
	s26 =	spop (v2sf)  }
0x77: {  	[tilespmem:s24], [sflag:$0x1] =	stream.linear.gather [hbm4b:s21+s2], $0x80, $0x38;
	[tilespmem:$0x10200] =	vst v63  }
0x78: {  	s21 =	sadd.s32 s3, s23;
	s24 =	sadd.s32 $0x8400, s20;
	s26 =	sand.u32 $0x1FFFFFF0, s26  }
0x79: {  	[tilespmem:s22], [sflag:$0x1] =	stream.linear.gather [hbm4b:s21+s2], $0x80, $0x38;
	(v2sf) =	vpush v0, $0xA;
	[tilespmem:$0x10200] =	vst v63  }
0x7a: {  	s21 =	sadd.s32 s4, s23;
	s22 =	sadd.s32 $0x480, s20;
	s23 =	spop (v2sf)  }
0x7b: {  	[tilespmem:s24], [sflag:$0x1] =	stream.linear.gather [hbm4b:s21+s2], $0x80, $0x38;
	[tilespmem:$0x10200] =	vst v63  }
0x7c: {  	s21 =	sadd.s32 s3, s25;
	s24 =	sadd.s32 $0x8480, s20;
	s23 =	sand.u32 $0x1FFFFFF0, s23  }
0x7d: {  	[tilespmem:s22], [sflag:$0x1] =	stream.linear.gather [hbm4b:s21+s2], $0x80, $0x38;
	(v2sf) =	vpush v0, $0xB;
	[tilespmem:$0x10200] =	vst v63  }
0x7e: {  	s21 =	sadd.s32 s4, s25;
	s22 =	sadd.s32 $0x500, s20;
	s25 =	sadd.s32 s3, s26  }
0x7f: {  	[tilespmem:s24], [sflag:$0x1] =	stream.linear.gather [hbm4b:s21+s2], $0x80, $0x38;
	[tilespmem:$0x10200] =	vst v63  }
0x80: {  	s21 =	sadd.s32 $0x8500, s20;
	s24 =	sadd.s32 s4, s26;
	s26 =	spop (v2sf)  }
0x81: {  	[tilespmem:s22], [sflag:$0x1] =	stream.linear.gather [hbm4b:s25+s2], $0x80, $0x38;
	(v2sf) =	vpush v0, $0xC;
	[tilespmem:$0x10200] =	vst v63  }
0x82: {  	s22 =	sadd.s32 $0x580, s20;
	s25 =	sadd.s32 s3, s23;
	s26 =	sand.u32 $0x1FFFFFF0, s26  }
0x83: {  	[tilespmem:s21], [sflag:$0x1] =	stream.linear.gather [hbm4b:s24+s2], $0x80, $0x38;
	[tilespmem:$0x10200] =	vst v63  }
0x84: {  	s23 =	sadd.s32 s4, s23;
	s21 =	sadd.s32 $0x8580, s20;
	s24 =	spop (v2sf)  }
0x85: {  	[tilespmem:s22], [sflag:$0x1] =	stream.linear.gather [hbm4b:s25+s2], $0x80, $0x38;
	(v2sf) =	vpush v0, $0xD;
	[tilespmem:$0x10200] =	vst v63  }
0x86: {  	s22 =	sadd.s32 $0x600, s20;
	s25 =	sadd.s32 s3, s26;
	s24 =	sand.u32 $0x1FFFFFF0, s24  }
0x87: {  	[tilespmem:s21], [sflag:$0x1] =	stream.linear.gather [hbm4b:s23+s2], $0x80, $0x38;
	[tilespmem:$0x10200] =	vst v63  }
0x88: {  	s21 =	sadd.s32 $0x8600, s20;
	s23 =	sadd.s32 s4, s26;
	s26 =	spop (v2sf)  }
0x89: {  	[tilespmem:s22], [sflag:$0x1] =	stream.linear.gather [hbm4b:s25+s2], $0x80, $0x38;
	(v2sf) =	vpush v0, $0xE;
	[tilespmem:$0x10200] =	vst v63  }
0x8a: {  	s22 =	sadd.s32 $0x680, s20;
	s25 =	sadd.s32 s3, s24;
	s26 =	sand.u32 $0x1FFFFFF0, s26  }
0x8b: {  	[tilespmem:s21], [sflag:$0x1] =	stream.linear.gather [hbm4b:s23+s2], $0x80, $0x38;
	[tilespmem:$0x10200] =	vst v63  }
0x8c: {  	s21 =	sadd.s32 $0x8680, s20;
	s23 =	sadd.s32 s4, s24;
	s24 =	spop (v2sf)  }
0x8d: {  	[tilespmem:s22], [sflag:$0x1] =	stream.linear.gather [hbm4b:s25+s2], $0x80, $0x38;
	(v2sf) =	vpush v0, $0xF;
	[tilespmem:$0x10200] =	vst v63  }
0x8e: {  	s22 =	sadd.s32 $0x700, s20;
	s25 =	sadd.s32 s3, s26;
	s24 =	sand.u32 $0x1FFFFFF0, s24  }
0x8f: {  	[tilespmem:s21], [sflag:$0x1] =	stream.linear.gather [hbm4b:s23+s2], $0x80, $0x38;
	[tilespmem:$0x10200] =	vst v63  }
0x90: {  	s21 =	sadd.s32 $0x8700, s20;
	s23 =	sadd.s32 s4, s26;
	s26 =	spop (v2sf)  }
0x91: {  	[tilespmem:s22], [sflag:$0x1] =	stream.linear.gather [hbm4b:s25+s2], $0x80, $0x38;
	[tilespmem:$0x10200] =	vst v63  }
0x92: {  	s22 =	sadd.s32 $0x780, s20;
	s25 =	sadd.s32 s3, s24;
	s26 =	sand.u32 $0x1FFFFFF0, s26  }
0x93: {  	[tilespmem:s21], [sflag:$0x1] =	stream.linear.gather [hbm4b:s23+s2], $0x80, $0x38;
	[tilespmem:$0x10200] =	vst v63  }
0x94: {  	s21 =	sadd.s32 $0x8780, s20;
	s23 =	sadd.s32 s4, s24;
	s24 =	spop (v2sf)  }
0x95: {  	[tilespmem:s22], [sflag:$0x1] =	stream.linear.gather [hbm4b:s25+s2], $0x80, $0x38;
	[tilespmem:$0x10200] =	vst v63  }
0x96: {  	s22 =	sadd.s32 $0x800, s20;
	s25 =	sadd.s32 s3, s26;
	s24 =	sand.u32 $0x1FFFFFF0, s24  }
0x97: {  	[tilespmem:s21], [sflag:$0x1] =	stream.linear.gather [hbm4b:s23+s2], $0x80, $0x38;
	[tilespmem:$0x10200] =	vst v63  }
0x98: {  	s21 =	sadd.s32 $0x8800, s20;
	s23 =	sadd.s32 s4, s26;
	s26 =	spop (v2sf)  }
0x99: {  	[tilespmem:s22], [sflag:$0x1] =	stream.linear.gather [hbm4b:s25+s2], $0x80, $0x38;
	[tilespmem:$0x10200] =	vst v63  }
0x9a: {  	s22 =	sadd.s32 $0x880, s20;
	s25 =	sadd.s32 s3, s24;
	s26 =	sand.u32 $0x1FFFFFF0, s26  }
0x9b: {  	[tilespmem:s21], [sflag:$0x1] =	stream.linear.gather [hbm4b:s23+s2], $0x80, $0x38;
	[tilespmem:$0x10200] =	vst v63  }
0x9c: {  	s21 =	sadd.s32 $0x8880, s20;
	s23 =	sadd.s32 s4, s24;
	s24 =	spop (v2sf)  }
0x9d: {  	[tilespmem:s22], [sflag:$0x1] =	stream.linear.gather [hbm4b:s25+s2], $0x80, $0x38;
	[tilespmem:$0x10200] =	vst v63  }
0x9e: {  	s22 =	sadd.s32 $0x900, s20;
	s25 =	sadd.s32 s3, s26;
	s24 =	sand.u32 $0x1FFFFFF0, s24  }
0x9f: {  	[tilespmem:s21], [sflag:$0x1] =	stream.linear.gather [hbm4b:s23+s2], $0x80, $0x38;
	[tilespmem:$0x10200] =	vst v63  }
0xa0: {  	s21 =	sadd.s32 $0x8900, s20;
	s23 =	sadd.s32 s4, s26  }
0xa1: {  	[tilespmem:s22], [sflag:$0x1] =	stream.linear.gather [hbm4b:s25+s2], $0x80, $0x38;
	[tilespmem:$0x10200] =	vst v63  }
.Ltmp0:
0xa2: {  	_ = 	snop;
	(pc) =	sbr.rel @p0 .LBB2_2-.Ltmp0, $4  }
0xa3: {  	s22 =	sadd.s32 $0x980, s20;
	s25 =	sadd.s32 s3, s24  }
0xa4: {  	[tilespmem:s21], [sflag:$0x1] =	stream.linear.gather [hbm4b:s23+s2], $0x80, $0x38;
	[tilespmem:$0x10200] =	vst v63  }
0xa5: {  	s20 =	sadd.s32 $0x8980, s20;
	s21 =	sadd.s32 s4, s24  }
0xa6: {  	[tilespmem:s22], [sflag:$0x1] =	stream.linear.gather [hbm4b:s25+s2], $0x80, $0x38;
	[tilespmem:$0x10200] =	vst v63  }
0xa7: {  	[tilespmem:s20], [sflag:$0x1] =	stream.linear.gather [hbm4b:s21+s2], $0x80, $0x38;
	[tilespmem:$0x10200] =	vst v63  }
0xa8: {  	_ =	swait.ge [sflag:s14], $0x8000  }
0xa9: {  	[sflag:s14] =	ssyncset.done $0x0  }
0xaa: {  	[sflag:s14] =	ssyncadd.s32 $0xFFFF8000  }
0xab: {  	_ =	swait.ge [sflag:s14], $0x8000  }
0xac: {  	[sflag:s14] =	ssyncset.done $0x0  }
0xad: {  	s18 =	simm.s32 $0x0;
	[sflag:s14] =	ssyncadd.s32 $0xFFFF8000  }
0xae: {  	[hbm4b:s5+s18] =	stream.linear.scatter [tilespmem:s15], [sflag:$0x2], $0x8000, $0x38;
	[tilespmem:$0x10200] =	vst v63  }
0xaf: {  	_ =	swait.ge [sflag:s13], $0x8000  }
0xb0: {  	[sflag:s13] =	ssyncset.done $0x0  }
0xb1: {  	[sflag:s13] =	ssyncadd.s32 $0xFFFF8000  }
0xb2: {  	[hbm4b:s7+s18] =	stream.linear.scatter [tilespmem:s16], [sflag:$0x2], $0x8000, $0x38;
	[tilespmem:$0x10200] =	vst v63  }
0xb3: {  	_ =	swait.ge [sflag:s13], $0x8000  }
0xb4: {  	[sflag:s13] =	ssyncset.done $0x0  }
0xb5: {  	s18 =	sand.u32 $0xF0, s18;
	[sflag:s13] =	ssyncadd.s32 $0xFFFF8000  }
0xb6: {  	v0 =	vld [tilespmem:s18+$0x100];
	_ =	sdelay $0x4  }
0xb7: {  	v0 =	vshll.u32 v0, $0x4  }
0xb8: {  	(v2sf) =	vpush v0, $0x0;
	_ =	sdelay $0x1  }
0xb9: {  	(v2sf) =	vpush v0, $0x1;
	_ =	sdelay $0x3  }
0xba: {  	(v2sf) =	vpush v0, $0x2;
	_ =	sdelay $0x1  }
0xbb: {  	(v2sf) =	vpush v0, $0x3;
	_ =	sdelay $0x1  }
0xbc: {  	(v2sf) =	vpush v0, $0x4;
	_ =	sdelay $0x4  }
0xbd: {  	s31 =	simm.s32 $0x200;
	s29 =	spop (v2sf)  }
0xbe: {  	s21 =	simm.s32 $0x8200;
	s23 =	simm.s32 $0x280;
	s18 =	sand.u32 $0x1FFFFFF0, s29  }
0xbf: {  	s25 =	simm.s32 $0x8280;
	s19 =	spop (v2sf);
	s30 =	sadd.s32 s3, s18  }
0xc0: {  	(v2sf) =	vpush v0, $0x5;
	[tilespmem:s31], [sflag:$0x1] =	stream.linear.gather [hbm4b:s30+s2], $0x80, $0x38;
	[tilespmem:$0x10200] =	vst v63  }
0xc1: {  	s28 =	simm.s32 $0x300;
	s19 =	sand.u32 $0x1FFFFFF0, s19;
	s18 =	sadd.s32 s4, s18  }
0xc2: {  	(v2sf) =	vpush v0, $0x6;
	[tilespmem:s21], [sflag:$0x1] =	stream.linear.gather [hbm4b:s18+s2], $0x80, $0x38;
	[tilespmem:$0x10200] =	vst v63  }
0xc3: {  	s20 =	simm.s32 $0x8980;
	s22 =	spop (v2sf);
	s24 =	sadd.s32 s3, s19  }
0xc4: {  	(v2sf) =	vpush v0, $0x7;
	[tilespmem:s23], [sflag:$0x1] =	stream.linear.gather [hbm4b:s24+s2], $0x80, $0x38;
	[tilespmem:$0x10200] =	vst v63  }
0xc5: {  	s19 =	sadd.s32 s4, s19;
	s26 =	spop (v2sf);
	s18 =	sand.u32 $0x1FFFFFF0, s22  }
0xc6: {  	[tilespmem:s25], [sflag:$0x1] =	stream.linear.gather [hbm4b:s19+s2], $0x80, $0x38;
	[tilespmem:$0x10200] =	vst v63  }
0xc7: {  	s30 =	simm.s32 $0x8300;
	s31 =	spop (v2sf);
	s29 =	sadd.s32 s3, s18  }
0xc8: {  	(v2sf) =	vpush v0, $0x8;
	[tilespmem:s28], [sflag:$0x1] =	stream.linear.gather [hbm4b:s29+s2], $0x80, $0x38;
	[tilespmem:$0x10200] =	vst v63  }
0xc9: {  	s21 =	simm.s32 $0x380;
	s18 =	sadd.s32 s4, s18;
	s19 =	sand.u32 $0x1FFFFFF0, s26  }
0xca: {  	[tilespmem:s30], [sflag:$0x1] =	stream.linear.gather [hbm4b:s18+s2], $0x80, $0x38;
	[tilespmem:$0x10200] =	vst v63  }
0xcb: {  	s23 =	simm.s32 $0x8380;
	s25 =	simm.s32 $0x400;
	s22 =	sadd.s32 s3, s19  }
0xcc: {  	[tilespmem:s21], [sflag:$0x1] =	stream.linear.gather [hbm4b:s22+s2], $0x80, $0x38;
	[tilespmem:$0x10200] =	vst v63  }
0xcd: {  	s19 =	sadd.s32 s4, s19;
	s28 =	simm.s32 $0x8400;
	s18 =	sand.u32 $0x1FFFFFF0, s31  }
0xce: {  	[tilespmem:s23], [sflag:$0x1] =	stream.linear.gather [hbm4b:s19+s2], $0x80, $0x38;
	[tilespmem:$0x10200] =	vst v63  }
0xcf: {  	s30 =	simm.s32 $0x480;
	s26 =	sadd.s32 s3, s18;
	s24 =	spop (v2sf)  }
0xd0: {  	(v2sf) =	vpush v0, $0x9;
	[tilespmem:s25], [sflag:$0x1] =	stream.linear.gather [hbm4b:s26+s2], $0x80, $0x38;
	[tilespmem:$0x10200] =	vst v63  }
0xd1: {  	s18 =	sadd.s32 s4, s18;
	s29 =	spop (v2sf);
	s19 =	sand.u32 $0x1FFFFFF0, s24  }
0xd2: {  	(v2sf) =	vpush v0, $0xA;
	[tilespmem:s28], [sflag:$0x1] =	stream.linear.gather [hbm4b:s18+s2], $0x80, $0x38;
	[tilespmem:$0x10200] =	vst v63  }
0xd3: {  	s21 =	simm.s32 $0x8480;
	s22 =	spop (v2sf);
	s31 =	sadd.s32 s3, s19  }
0xd4: {  	(v2sf) =	vpush v0, $0xB;
	[tilespmem:s30], [sflag:$0x1] =	stream.linear.gather [hbm4b:s31+s2], $0x80, $0x38;
	[tilespmem:$0x10200] =	vst v63  }
0xd5: {  	s23 =	simm.s32 $0x500;
	s19 =	sadd.s32 s4, s19;
	s18 =	sand.u32 $0x1FFFFFF0, s29  }
0xd6: {  	[tilespmem:s21], [sflag:$0x1] =	stream.linear.gather [hbm4b:s19+s2], $0x80, $0x38;
	[tilespmem:$0x10200] =	vst v63  }
0xd7: {  	s25 =	simm.s32 $0x8500;
	s26 =	spop (v2sf);
	s24 =	sadd.s32 s3, s18  }
0xd8: {  	(v2sf) =	vpush v0, $0xC;
	[tilespmem:s23], [sflag:$0x1] =	stream.linear.gather [hbm4b:s24+s2], $0x80, $0x38;
	[tilespmem:$0x10200] =	vst v63  }
0xd9: {  	s28 =	simm.s32 $0x580;
	s18 =	sadd.s32 s4, s18;
	s19 =	sand.u32 $0x1FFFFFF0, s22  }
0xda: {  	[tilespmem:s25], [sflag:$0x1] =	stream.linear.gather [hbm4b:s18+s2], $0x80, $0x38;
	[tilespmem:$0x10200] =	vst v63  }
0xdb: {  	s30 =	simm.s32 $0x8580;
	s21 =	simm.s32 $0x600;
	s29 =	sadd.s32 s3, s19  }
0xdc: {  	[tilespmem:s28], [sflag:$0x1] =	stream.linear.gather [hbm4b:s29+s2], $0x80, $0x38;
	[tilespmem:$0x10200] =	vst v63  }
0xdd: {  	s19 =	sadd.s32 s4, s19;
	s23 =	simm.s32 $0x8600;
	s18 =	sand.u32 $0x1FFFFFF0, s26  }
0xde: {  	[tilespmem:s30], [sflag:$0x1] =	stream.linear.gather [hbm4b:s19+s2], $0x80, $0x38;
	[tilespmem:$0x10200] =	vst v63  }
0xdf: {  	s25 =	simm.s32 $0x680;
	s31 =	spop (v2sf);
	s22 =	sadd.s32 s3, s18  }
0xe0: {  	(v2sf) =	vpush v0, $0xD;
	[tilespmem:s21], [sflag:$0x1] =	stream.linear.gather [hbm4b:s22+s2], $0x80, $0x38;
	[tilespmem:$0x10200] =	vst v63  }
0xe1: {  	s18 =	sadd.s32 s4, s18;
	s24 =	spop (v2sf);
	s19 =	sand.u32 $0x1FFFFFF0, s31  }
0xe2: {  	(v2sf) =	vpush v0, $0xE;
	[tilespmem:s23], [sflag:$0x1] =	stream.linear.gather [hbm4b:s18+s2], $0x80, $0x38;
	[tilespmem:$0x10200] =	vst v63  }
0xe3: {  	s28 =	simm.s32 $0x8680;
	s29 =	spop (v2sf);
	s26 =	sadd.s32 s3, s19  }
0xe4: {  	(v2sf) =	vpush v0, $0xF;
	[tilespmem:s25], [sflag:$0x1] =	stream.linear.gather [hbm4b:s26+s2], $0x80, $0x38;
	[tilespmem:$0x10200] =	vst v63  }
0xe5: {  	s30 =	simm.s32 $0x700;
	s19 =	sadd.s32 s4, s19;
	s18 =	sand.u32 $0x1FFFFFF0, s24  }
0xe6: {  	[tilespmem:s28], [sflag:$0x1] =	stream.linear.gather [hbm4b:s19+s2], $0x80, $0x38;
	[tilespmem:$0x10200] =	vst v63  }
0xe7: {  	s21 =	simm.s32 $0x8700;
	s22 =	spop (v2sf);
	s31 =	sadd.s32 s3, s18  }
0xe8: {  	[tilespmem:s30], [sflag:$0x1] =	stream.linear.gather [hbm4b:s31+s2], $0x80, $0x38;
	[tilespmem:$0x10200] =	vst v63  }
0xe9: {  	s23 =	simm.s32 $0x780;
	s18 =	sadd.s32 s4, s18;
	s19 =	sand.u32 $0x1FFFFFF0, s29  }
0xea: {  	[tilespmem:s21], [sflag:$0x1] =	stream.linear.gather [hbm4b:s18+s2], $0x80, $0x38;
	[tilespmem:$0x10200] =	vst v63  }
0xeb: {  	s25 =	simm.s32 $0x8780;
	s28 =	simm.s32 $0x800;
	s24 =	sadd.s32 s3, s19  }
0xec: {  	[tilespmem:s23], [sflag:$0x1] =	stream.linear.gather [hbm4b:s24+s2], $0x80, $0x38;
	[tilespmem:$0x10200] =	vst v63  }
0xed: {  	s19 =	sadd.s32 s4, s19;
	s30 =	simm.s32 $0x8800;
	s18 =	sand.u32 $0x1FFFFFF0, s22  }
0xee: {  	[tilespmem:s25], [sflag:$0x1] =	stream.linear.gather [hbm4b:s19+s2], $0x80, $0x38;
	[tilespmem:$0x10200] =	vst v63  }
0xef: {  	s26 =	spop (v2sf);
	s22 =	simm.s32 $0x880;
	s29 =	sadd.s32 s3, s18  }
0xf0: {  	[tilespmem:s28], [sflag:$0x1] =	stream.linear.gather [hbm4b:s29+s2], $0x80, $0x38;
	[tilespmem:$0x10200] =	vst v63  }
0xf1: {  	s18 =	sadd.s32 s4, s18;
	s31 =	spop (v2sf);
	s19 =	sand.u32 $0x1FFFFFF0, s26  }
0xf2: {  	[tilespmem:s30], [sflag:$0x1] =	stream.linear.gather [hbm4b:s18+s2], $0x80, $0x38;
	[tilespmem:$0x10200] =	vst v63  }
0xf3: {  	s24 =	simm.s32 $0x8880;
	s25 =	spop (v2sf);
	s23 =	sadd.s32 s3, s19  }
0xf4: {  	[tilespmem:s22], [sflag:$0x1] =	stream.linear.gather [hbm4b:s23+s2], $0x80, $0x38;
	[tilespmem:$0x10200] =	vst v63  }
0xf5: {  	s26 =	simm.s32 $0x900;
	s19 =	sadd.s32 s4, s19;
	s18 =	sand.u32 $0x1FFFFFF0, s31  }
0xf6: {  	[tilespmem:s24], [sflag:$0x1] =	stream.linear.gather [hbm4b:s19+s2], $0x80, $0x38;
	[tilespmem:$0x10200] =	vst v63  }
0xf7: {  	s29 =	simm.s32 $0x8900;
	s28 =	sadd.s32 s3, s18;
	s19 =	sand.u32 $0x1FFFFFF0, s25  }
0xf8: {  	[tilespmem:s26], [sflag:$0x1] =	stream.linear.gather [hbm4b:s28+s2], $0x80, $0x38;
	[tilespmem:$0x10200] =	vst v63  }
0xf9: {  	s30 =	simm.s32 $0x980;
	s18 =	sadd.s32 s4, s18;
	s31 =	sadd.s32 s3, s19  }
0xfa: {  	[tilespmem:s29], [sflag:$0x1] =	stream.linear.gather [hbm4b:s18+s2], $0x80, $0x38;
	[tilespmem:$0x10200] =	vst v63  }
0xfb: {  	s21 =	sadd.s32 s4, s19;
	s19 =	simm.s32 $0x10;
	s18 =	simm.s32 $0x2000  }
0xfc: {  	[tilespmem:s30], [sflag:$0x1] =	stream.linear.gather [hbm4b:s31+s2], $0x80, $0x38;
	[tilespmem:$0x10200] =	vst v63  }
.LBB2_4:
0xfd: {  	s22 =	sand.u32 $0xF0, s19  }
0xfe: {  	p0 =	sne.s32 s18, $0x1E000;
	s23 =	smov.u32 s18;
	s18 =	sadd.s32 $0x2000, s18  }
0xff: {  	[tilespmem:s20], [sflag:$0x1] =	stream.linear.gather [hbm4b:s21+s2], $0x80, $0x38;
	[tilespmem:$0x10200] =	vst v63  }
0x100: {  	v0 =	vld [tilespmem:s22+$0x100];
	_ =	sdelay $0x4  }
0x101: {  	v0 =	vshll.u32 v0, $0x4  }
0x102: {  	(v2sf) =	vpush v0, $0x0  }
0x103: {  	(v2sf) =	vpush v0, $0x1  }
0x104: {  	(v2sf) =	vpush v0, $0x2;
	_ =	sdelay $0x2  }
0x105: {  	(v2sf) =	vpush v0, $0x3;
	_ =	sdelay $0x3  }
0x106: {  	(v2sf) =	vpush v0, $0x4;
	_ =	sdelay $0x3  }
0x107: {  	(v2sf) =	vpush v0, $0x5;
	_ =	sdelay $0x1  }
0x108: {  	s21 =	spop (v2sf)  }
0x109: {  	s20 =	sshra.s32 s23, $0x2;
	s21 =	sand.u32 $0x1FFFFFF0, s21;
	s22 =	spop (v2sf)  }
0x10a: {  	s24 =	sadd.s32 $0x8200, s20;
	s23 =	sadd.s32 s3, s21;
	s25 =	spop (v2sf);
	(v2sf) =	vpush v0, $0x6  }
0x10b: {  	s26 =	sadd.s32 $0x200, s20;
	s22 =	sand.u32 $0x1FFFFFF0, s22;
	s25 =	sand.u32 $0x1FFFFFF0, s25  }
0x10c: {  	[tilespmem:s26], [sflag:$0x1] =	stream.linear.gather [hbm4b:s23+s2], $0x80, $0x38;
	[tilespmem:$0x10200] =	vst v63  }
0x10d: {  	s21 =	sadd.s32 s4, s21;
	s23 =	sadd.s32 $0x280, s20;
	s26 =	spop (v2sf)  }
0x10e: {  	[tilespmem:s24], [sflag:$0x1] =	stream.linear.gather [hbm4b:s21+s2], $0x80, $0x38;
	(v2sf) =	vpush v0, $0x7;
	[tilespmem:$0x10200] =	vst v63  }
0x10f: {  	s21 =	sadd.s32 s3, s22;
	s24 =	sadd.s32 $0x8280, s20;
	s26 =	sand.u32 $0x1FFFFFF0, s26  }
0x110: {  	[tilespmem:s23], [sflag:$0x1] =	stream.linear.gather [hbm4b:s21+s2], $0x80, $0x38;
	[tilespmem:$0x10200] =	vst v63  }
0x111: {  	s21 =	sadd.s32 s4, s22;
	s22 =	sadd.s32 $0x300, s20;
	s23 =	spop (v2sf)  }
0x112: {  	[tilespmem:s24], [sflag:$0x1] =	stream.linear.gather [hbm4b:s21+s2], $0x80, $0x38;
	[tilespmem:$0x10200] =	vst v63  }
0x113: {  	s21 =	sadd.s32 s3, s25;
	s24 =	sadd.s32 $0x8300, s20;
	s23 =	sand.u32 $0x1FFFFFF0, s23  }
0x114: {  	[tilespmem:s22], [sflag:$0x1] =	stream.linear.gather [hbm4b:s21+s2], $0x80, $0x38;
	(v2sf) =	vpush v0, $0x8;
	[tilespmem:$0x10200] =	vst v63  }
0x115: {  	s21 =	sadd.s32 s4, s25;
	s22 =	sadd.s32 $0x380, s20;
	s25 =	spop (v2sf)  }
0x116: {  	[tilespmem:s24], [sflag:$0x1] =	stream.linear.gather [hbm4b:s21+s2], $0x80, $0x38;
	[tilespmem:$0x10200] =	vst v63  }
0x117: {  	s21 =	sadd.s32 s3, s26;
	s24 =	sadd.s32 $0x8380, s20;
	s25 =	sand.u32 $0x1FFFFFF0, s25  }
0x118: {  	[tilespmem:s22], [sflag:$0x1] =	stream.linear.gather [hbm4b:s21+s2], $0x80, $0x38;
	(v2sf) =	vpush v0, $0x9;
	[tilespmem:$0x10200] =	vst v63  }
0x119: {  	s21 =	sadd.s32 s4, s26;
	s22 =	sadd.s32 $0x400, s20;
	s26 =	spop (v2sf)  }
0x11a: {  	[tilespmem:s24], [sflag:$0x1] =	stream.linear.gather [hbm4b:s21+s2], $0x80, $0x38;
	[tilespmem:$0x10200] =	vst v63  }
0x11b: {  	s21 =	sadd.s32 s3, s23;
	s24 =	sadd.s32 $0x8400, s20;
	s26 =	sand.u32 $0x1FFFFFF0, s26  }
0x11c: {  	[tilespmem:s22], [sflag:$0x1] =	stream.linear.gather [hbm4b:s21+s2], $0x80, $0x38;
	(v2sf) =	vpush v0, $0xA;
	[tilespmem:$0x10200] =	vst v63  }
0x11d: {  	s21 =	sadd.s32 s4, s23;
	s22 =	sadd.s32 $0x480, s20;
	s23 =	spop (v2sf)  }
0x11e: {  	[tilespmem:s24], [sflag:$0x1] =	stream.linear.gather [hbm4b:s21+s2], $0x80, $0x38;
	[tilespmem:$0x10200] =	vst v63  }
0x11f: {  	s21 =	sadd.s32 s3, s25;
	s24 =	sadd.s32 $0x8480, s20;
	s23 =	sand.u32 $0x1FFFFFF0, s23  }
0x120: {  	[tilespmem:s22], [sflag:$0x1] =	stream.linear.gather [hbm4b:s21+s2], $0x80, $0x38;
	(v2sf) =	vpush v0, $0xB;
	[tilespmem:$0x10200] =	vst v63  }
0x121: {  	s21 =	sadd.s32 s4, s25;
	s22 =	sadd.s32 $0x500, s20;
	s25 =	sadd.s32 s3, s26  }
0x122: {  	[tilespmem:s24], [sflag:$0x1] =	stream.linear.gather [hbm4b:s21+s2], $0x80, $0x38;
	[tilespmem:$0x10200] =	vst v63  }
0x123: {  	s21 =	sadd.s32 $0x8500, s20;
	s24 =	sadd.s32 s4, s26;
	s26 =	spop (v2sf)  }
0x124: {  	[tilespmem:s22], [sflag:$0x1] =	stream.linear.gather [hbm4b:s25+s2], $0x80, $0x38;
	(v2sf) =	vpush v0, $0xC;
	[tilespmem:$0x10200] =	vst v63  }
0x125: {  	s22 =	sadd.s32 $0x580, s20;
	s25 =	sadd.s32 s3, s23;
	s26 =	sand.u32 $0x1FFFFFF0, s26  }
0x126: {  	[tilespmem:s21], [sflag:$0x1] =	stream.linear.gather [hbm4b:s24+s2], $0x80, $0x38;
	[tilespmem:$0x10200] =	vst v63  }
0x127: {  	s23 =	sadd.s32 s4, s23;
	s21 =	sadd.s32 $0x8580, s20;
	s24 =	spop (v2sf)  }
0x128: {  	[tilespmem:s22], [sflag:$0x1] =	stream.linear.gather [hbm4b:s25+s2], $0x80, $0x38;
	(v2sf) =	vpush v0, $0xD;
	[tilespmem:$0x10200] =	vst v63  }
0x129: {  	s22 =	sadd.s32 $0x600, s20;
	s25 =	sadd.s32 s3, s26;
	s24 =	sand.u32 $0x1FFFFFF0, s24  }
0x12a: {  	[tilespmem:s21], [sflag:$0x1] =	stream.linear.gather [hbm4b:s23+s2], $0x80, $0x38;
	[tilespmem:$0x10200] =	vst v63  }
0x12b: {  	s21 =	sadd.s32 $0x8600, s20;
	s23 =	sadd.s32 s4, s26;
	s26 =	spop (v2sf)  }
0x12c: {  	[tilespmem:s22], [sflag:$0x1] =	stream.linear.gather [hbm4b:s25+s2], $0x80, $0x38;
	(v2sf) =	vpush v0, $0xE;
	[tilespmem:$0x10200] =	vst v63  }
0x12d: {  	s22 =	sadd.s32 $0x680, s20;
	s25 =	sadd.s32 s3, s24;
	s26 =	sand.u32 $0x1FFFFFF0, s26  }
0x12e: {  	[tilespmem:s21], [sflag:$0x1] =	stream.linear.gather [hbm4b:s23+s2], $0x80, $0x38;
	[tilespmem:$0x10200] =	vst v63  }
0x12f: {  	s21 =	sadd.s32 $0x8680, s20;
	s23 =	sadd.s32 s4, s24;
	s24 =	spop (v2sf)  }
0x130: {  	[tilespmem:s22], [sflag:$0x1] =	stream.linear.gather [hbm4b:s25+s2], $0x80, $0x38;
	(v2sf) =	vpush v0, $0xF;
	[tilespmem:$0x10200] =	vst v63  }
0x131: {  	s22 =	sadd.s32 $0x700, s20;
	s25 =	sadd.s32 s3, s26;
	s24 =	sand.u32 $0x1FFFFFF0, s24  }
0x132: {  	[tilespmem:s21], [sflag:$0x1] =	stream.linear.gather [hbm4b:s23+s2], $0x80, $0x38;
	[tilespmem:$0x10200] =	vst v63  }
0x133: {  	s21 =	sadd.s32 $0x8700, s20;
	s23 =	sadd.s32 s4, s26;
	s26 =	spop (v2sf)  }
0x134: {  	[tilespmem:s22], [sflag:$0x1] =	stream.linear.gather [hbm4b:s25+s2], $0x80, $0x38;
	[tilespmem:$0x10200] =	vst v63  }
0x135: {  	s22 =	sadd.s32 $0x780, s20;
	s25 =	sadd.s32 s3, s24;
	s26 =	sand.u32 $0x1FFFFFF0, s26  }
0x136: {  	[tilespmem:s21], [sflag:$0x1] =	stream.linear.gather [hbm4b:s23+s2], $0x80, $0x38;
	[tilespmem:$0x10200] =	vst v63  }
0x137: {  	s21 =	sadd.s32 $0x8780, s20;
	s23 =	sadd.s32 s4, s24;
	s24 =	spop (v2sf)  }
0x138: {  	[tilespmem:s22], [sflag:$0x1] =	stream.linear.gather [hbm4b:s25+s2], $0x80, $0x38;
	[tilespmem:$0x10200] =	vst v63  }
0x139: {  	s22 =	sadd.s32 $0x800, s20;
	s25 =	sadd.s32 s3, s26;
	s24 =	sand.u32 $0x1FFFFFF0, s24  }
0x13a: {  	[tilespmem:s21], [sflag:$0x1] =	stream.linear.gather [hbm4b:s23+s2], $0x80, $0x38;
	[tilespmem:$0x10200] =	vst v63  }
0x13b: {  	s21 =	sadd.s32 $0x8800, s20;
	s23 =	sadd.s32 s4, s26;
	s26 =	spop (v2sf)  }
0x13c: {  	[tilespmem:s22], [sflag:$0x1] =	stream.linear.gather [hbm4b:s25+s2], $0x80, $0x38;
	[tilespmem:$0x10200] =	vst v63  }
0x13d: {  	s22 =	sadd.s32 $0x880, s20;
	s25 =	sadd.s32 s3, s24;
	s26 =	sand.u32 $0x1FFFFFF0, s26  }
0x13e: {  	[tilespmem:s21], [sflag:$0x1] =	stream.linear.gather [hbm4b:s23+s2], $0x80, $0x38;
	[tilespmem:$0x10200] =	vst v63  }
0x13f: {  	s21 =	sadd.s32 $0x8880, s20;
	s23 =	sadd.s32 s4, s24;
	s24 =	spop (v2sf)  }
0x140: {  	[tilespmem:s22], [sflag:$0x1] =	stream.linear.gather [hbm4b:s25+s2], $0x80, $0x38;
	[tilespmem:$0x10200] =	vst v63  }
0x141: {  	s22 =	sadd.s32 $0x900, s20;
	s25 =	sadd.s32 s3, s26;
	s24 =	sand.u32 $0x1FFFFFF0, s24  }
0x142: {  	[tilespmem:s21], [sflag:$0x1] =	stream.linear.gather [hbm4b:s23+s2], $0x80, $0x38;
	[tilespmem:$0x10200] =	vst v63  }
0x143: {  	s21 =	sadd.s32 $0x8900, s20;
	s23 =	sadd.s32 s4, s26  }
0x144: {  	[tilespmem:s22], [sflag:$0x1] =	stream.linear.gather [hbm4b:s25+s2], $0x80, $0x38;
	[tilespmem:$0x10200] =	vst v63  }
.Ltmp1:
0x145: {  	_ = 	snop;
	(pc) =	sbr.rel @p0 .LBB2_4-.Ltmp1, $4  }
0x146: {  	s22 =	sadd.s32 $0x980, s20;
	s25 =	sadd.s32 s3, s24  }
0x147: {  	[tilespmem:s21], [sflag:$0x1] =	stream.linear.gather [hbm4b:s23+s2], $0x80, $0x38;
	[tilespmem:$0x10200] =	vst v63  }
0x148: {  	s19 =	sadd.s32 $0x10, s19;
	s20 =	sadd.s32 $0x8980, s20;
	s21 =	sadd.s32 s4, s24  }
0x149: {  	[tilespmem:s22], [sflag:$0x1] =	stream.linear.gather [hbm4b:s25+s2], $0x80, $0x38;
	[tilespmem:$0x10200] =	vst v63  }
0x14a: {  	[tilespmem:s20], [sflag:$0x1] =	stream.linear.gather [hbm4b:s21+s2], $0x80, $0x38;
	[tilespmem:$0x10200] =	vst v63  }
0x14b: {  	_ =	swait.ge [sflag:s14], $0x8000  }
0x14c: {  	[sflag:s14] =	ssyncset.done $0x0  }
0x14d: {  	[sflag:s14] =	ssyncadd.s32 $0xFFFF8000  }
0x14e: {  	_ =	swait.ge [sflag:s14], $0x8000  }
0x14f: {  	[sflag:s14] =	ssyncset.done $0x0  }
0x150: {  	[sflag:s14] =	ssyncadd.s32 $0xFFFF8000  }
0x151: {  	[hbm4b:s8+s2] =	stream.linear.scatter [tilespmem:s15], [sflag:$0x2], $0x8000, $0x38;
	[tilespmem:$0x10200] =	vst v63  }
0x152: {  	s17 =	sadd.s32 $0x1, s17;
	_ =	swait.ge [sflag:s13], $0x8000  }
0x153: {  	p0 =	sne.s32 s17, s10;
	[sflag:s13] =	ssyncset.done $0x0  }
.Ltmp2:
0x154: {  	[sflag:s13] =	ssyncadd.s32 $0xFFFF8000;
	(pc) =	sbr.rel @p0 .LBB2_1-.Ltmp2, $4  }
0x155: {  	[hbm4b:s9+s2] =	stream.linear.scatter [tilespmem:s16], [sflag:$0x2], $0x8000, $0x38;
	[tilespmem:$0x10200] =	vst v63  }
0x156: {  	_ =	swait.ge [sflag:s13], $0x8000  }
0x157: {  	[sflag:s13] =	ssyncset.done $0x0  }
0x158: {  	[sflag:s13] =	ssyncadd.s32 $0xFFFF8000  }
0x159: {  	_ =	sfence.sel $0x180000  }
0x15a: {  	[bflag:$0x0] =	sbarrier.arrive $0xFFFF  }
0x15b: {  	p0 =	sne.s32 s1, $0x0;
	_ =	strace $0x90000047  }
0x15c: {  	s0 =	sadd.s32 @!p0 $0x100000, s0;
	[bflag:$0x2] =	sbarrier.arrive $0xFFFF  }
0x15d: {  	[sflag:s0] =	ssyncadd.tile.s32 @!p0 $0x1;
	_ =	shalt  }
.Lfunc_end2:
_tile_overlayer_lowered:
.L_overlay_start_2:
0x15e: {  	(tag) =	ssettag $0x2  }
0x15f: {  	s0 =	rddreg [dreg:$0x0];
	s2 =	stileid.u32  }
0x160: {  	s1 =	rddreg [dreg:$0x1];
	p0 =	sne.s32 s2, $0x0  }
0x161: {  	s3 =	rddreg [dreg:$0x2];
	[bflag:$0x3] =	sbarrier.arrive $0xFFFF;
	s2 =	simm.s32 @!p0 $0x1C02  }
0x162: {  	[timem:s3], [sflag:s2] =	dma.local @!p0 [hbm:s0], s1  }
0x163: {  	s0 =	simm.s32 @!p0 $0x2  }
0x164: {  	_ =	swait.ge @!p0 [sflag:s0], s1  }
0x165: {  	s1 =	ssub.s32 @!p0 $0x0, s1;
	[sflag:s0] =	ssyncset.done @!p0 $0x0  }
0x166: {  	[sflag:s0] =	ssyncadd.s32 @!p0 s1  }
0x167: {  	[bflag:$0x3] =	sbarrier.arrive $0xFFFF  }
0x168: {  	_ =	shalt  }

</sc_bundles>
